<compile_context>
chip_gen: v7x
topology: tpu7x:2x2x1
jax: 0.10.2.dev20260603
libtpu: 0.0.44.dev20260713+nightly
codegen_flags: <defaults>
</compile_context>

<pallas_src>
import functools

import jax
import jax.numpy as jnp
from jax import lax
from jax.experimental import pallas as pl
from jax.experimental.pallas import tpu as pltpu
from jax.experimental.pallas import tpu_sc as plsc

_VOCAB = 100000
_EMB = 128
_B = 4096
_L = 50

_NC = 2
_NS = 16
_NW = _NC * _NS
_BW = _B // _NW
_NBUF = 4

_mesh = plsc.VectorSubcoreMesh(core_axis_name="c", subcore_axis_name="s")


@functools.partial(
    pl.kernel,
    out_type=jax.ShapeDtypeStruct((_L, _B, _EMB), jnp.float32),
    mesh=_mesh,
    scratch_types=[
        pltpu.VMEM((_L, _BW), jnp.int32),
        pltpu.VMEM((_BW, _EMB), jnp.float32),
        pltpu.VMEM((_BW, _EMB), jnp.float32),
        pltpu.VMEM((_BW, _EMB), jnp.float32),
        pltpu.VMEM((_BW, _EMB), jnp.float32),
        pltpu.SemaphoreType.DMA,
        pltpu.SemaphoreType.DMA,
        pltpu.SemaphoreType.DMA,
        pltpu.SemaphoreType.DMA,
        pltpu.SemaphoreType.DMA,
        pltpu.SemaphoreType.DMA,
        pltpu.SemaphoreType.DMA,
        pltpu.SemaphoreType.DMA,
    ],
)
def _emb_lookup(idx_hbm, table_hbm, out_hbm, idx_v, r0, r1, r2, r3,
                g0, g1, g2, g3, s0, s1, s2, s3):
    wid = lax.axis_index("s") * _NC + lax.axis_index("c")
    base = wid * _BW
    rows_v = (r0, r1, r2, r3)
    gsem = (g0, g1, g2, g3)
    ssem = (s0, s1, s2, s3)
    pltpu.sync_copy(idx_hbm.at[:, pl.ds(base, _BW)], idx_v)

    def start_gather(l, b):
        for h in range(2):
            pltpu.make_async_copy(
                table_hbm.at[idx_v.at[l, pl.ds(h * 64, 64)]],
                rows_v[b].at[pl.ds(h * 64, 64)], gsem[b]).start()

    def wait_gather(l, b):
        for h in range(2):
            pltpu.make_async_copy(
                table_hbm.at[idx_v.at[l, pl.ds(h * 64, 64)]],
                rows_v[b].at[pl.ds(h * 64, 64)], gsem[b]).wait()

    def store(l, b):
        return pltpu.make_async_copy(
            rows_v[b], out_hbm.at[l, pl.ds(base, _BW)], ssem[b]
        )

    AHEAD = 2

    def step(l, b, bg, do_wait_store, do_start_gather):
        wait_gather(l, b)
        store(l, b).start()
        if do_start_gather:
            if do_wait_store:
                store(l - AHEAD, bg).wait()
            start_gather(l + AHEAD, bg)

    for l in range(AHEAD):
        start_gather(l, l % _NBUF)
    for l in range(AHEAD):
        step(l, l % _NBUF, (l + AHEAD) % _NBUF, False, True)

    def body(i, carry):
        l0 = AHEAD + i * _NBUF
        for k in range(_NBUF):
            step(l0 + k, (AHEAD + k) % _NBUF, k, True, True)
        return carry

    n_main = ((_L - 2 * AHEAD - AHEAD) // _NBUF) * _NBUF
    lax.fori_loop(0, n_main // _NBUF, body, 0)

    for l in range(AHEAD + n_main, _L):
        step(l, l % _NBUF, (l + AHEAD) % _NBUF, True, l + AHEAD < _L)
    for l in range(_L - AHEAD - 2, _L):
        store(l, l % _NBUF).wait()


def kernel(input, table):
    out_t = _emb_lookup(input.T, table)
    return out_t.transpose(1, 0, 2)

# --- scband reference (transcript-rebuilt; emitter-appended) ---
"""Pipeline reference for scband-embedding-custom-3573412790289 (READ-ONLY COPY).

The authoritative reference and input builder live on the scoring server;
editing this copy changes nothing except your own understanding.
"""

import jax, jax.numpy as jnp
import numpy as np

VOCAB = 100000
EMB = 128
B = 4096
L = 50

def setup_inputs(seed: int = 0) -> dict:
    key = jax.random.key(seed)
    k1, k2 = jax.random.split(key)
    inp = jax.random.randint(k1, (B, L), 0, VOCAB, dtype=jnp.int64 if jax.config.jax_enable_x64 else jnp.int32)
    # learnable embedding table (nn.Embedding default init ~ N(0,1))
    table = jax.random.normal(k2, (VOCAB, EMB), dtype=jnp.float32)
    return {"input": inp, "table": table}

def reference(input, table):
    # EmbeddingCustom with pretrained=None: only learnable embeddings are looked up.
    # torch.cat over a single tensor along dim=2 is identity.
    emb = jnp.take(table, input, axis=0)  # [B, L, EMB]
    # drop_embedding_prop == 0 -> _embedding_dropout is identity (dropnone)
    return emb

if __name__ == "__main__":
    import jax
    _d = setup_inputs()
    print(jax.jit(kernel)(*tuple(_d.values())))

</pallas_src>

<mosaic_0001>
#map = affine_map<(d0, d1) -> (0, 0)>
#map1 = affine_map<(d0, d1) -> (0, 0, 0)>
module attributes {stable_mosaic.version = 14 : i64} {
  func.func @_emb_lookup(%arg0: i32, %arg1: i32, %arg2: memref<50x4096xi32, #tpu.memory_space<hbm>>, %arg3: memref<100000x128xf32, #tpu.memory_space<hbm>>, %arg4: memref<50x4096x128xf32, #tpu.memory_space<hbm>>, %arg5: memref<50x128xi32, #tpu.memory_space<vmem>>, %arg6: memref<128x128xf32, #tpu.memory_space<vmem>>, %arg7: memref<128x128xf32, #tpu.memory_space<vmem>>, %arg8: memref<128x128xf32, #tpu.memory_space<vmem>>, %arg9: memref<128x128xf32, #tpu.memory_space<vmem>>, %arg10: memref<!tpu.dma_semaphore, #tpu.memory_space<semaphore_mem>>, %arg11: memref<!tpu.dma_semaphore, #tpu.memory_space<semaphore_mem>>, %arg12: memref<!tpu.dma_semaphore, #tpu.memory_space<semaphore_mem>>, %arg13: memref<!tpu.dma_semaphore, #tpu.memory_space<semaphore_mem>>, %arg14: memref<!tpu.dma_semaphore, #tpu.memory_space<semaphore_mem>>, %arg15: memref<!tpu.dma_semaphore, #tpu.memory_space<semaphore_mem>>, %arg16: memref<!tpu.dma_semaphore, #tpu.memory_space<semaphore_mem>>, %arg17: memref<!tpu.dma_semaphore, #tpu.memory_space<semaphore_mem>>) attributes {dimension_semantics = [#tpu.dimension_semantics<core_parallel>, #tpu.dimension_semantics<subcore_parallel>], iteration_bounds = array<i64: 2, 16>, scalar_prefetch = 0 : i64, scratch_operands = 13 : i64, tpu.core_type = #tpu.core_type<sc_vector_subcore>, window_params = [{transform_indices = #map}, {transform_indices = #map}, {transform_indices = #map1}]} {
    %mul3A = arith.constant 2 : i32
    %mul3A_0 = arith.muli %arg1, %mul3A : i32
    %add3A = arith.addi %mul3A_0, %arg0 : i32
    %mul3A_1 = arith.constant 128 : i32
    %mul3A_2 = arith.muli %add3A, %mul3A_1 : i32
    "tpu.region"() ({
      %run_scoped3A = tpu.sem_alloc : memref<!tpu.dma_semaphore, #tpu.memory_space<semaphore_mem>>
      %dma_start3A_330 = arith.constant 0 : i32
      %dma_start3A_331 = tpu.memref_slice %arg2[%dma_start3A_330, %mul3A_2] : memref<50x4096xi32, #tpu.memory_space<hbm>> -> memref<50x128xi32, #tpu.memory_space<hbm>>
      %dma_start3A_332 = arith.constant 0 : i32
      %dma_start3A_333 = tpu.memref_slice %arg2[%dma_start3A_332, %mul3A_2] : memref<50x4096xi32, #tpu.memory_space<hbm>> -> memref<50x128xi32, #tpu.memory_space<hbm>>
      tpu.enqueue_dma source(%dma_start3A_333 : memref<50x128xi32, #tpu.memory_space<hbm>>) target(%arg5 : memref<50x128xi32, #tpu.memory_space<vmem>>) target_semaphore(%run_scoped3A : memref<!tpu.dma_semaphore, #tpu.memory_space<semaphore_mem>>)
      %dma_wait3A_334 = arith.constant 0 : i32
      %dma_wait3A_335 = tpu.memref_slice %arg2[%dma_wait3A_334, %mul3A_2] : memref<50x4096xi32, #tpu.memory_space<hbm>> -> memref<50x128xi32, #tpu.memory_space<hbm>>
      %dma_wait3A_336 = arith.constant 0 : i32
      %dma_wait3A_337 = tpu.memref_slice %arg2[%dma_wait3A_336, %mul3A_2] : memref<50x4096xi32, #tpu.memory_space<hbm>> -> memref<50x128xi32, #tpu.memory_space<hbm>>
      tpu.wait_dma2 semaphore(%run_scoped3A : memref<!tpu.dma_semaphore, #tpu.memory_space<semaphore_mem>>) src(%dma_wait3A_337 : memref<50x128xi32, #tpu.memory_space<hbm>>) dst(%arg5 : memref<50x128xi32, #tpu.memory_space<vmem>>)
      tpu.yield
    }) : () -> ()
    %dma_start3A = arith.constant 0 : i32
    %dma_start3A_3 = arith.constant 0 : i32
    %dma_start3A_4 = arith.constant 0 : i32
    %dma_start3A_5 = tpu.memref_slice %arg6[%dma_start3A_3, %dma_start3A_4] : memref<128x128xf32, #tpu.memory_space<vmem>> -> memref<64x128xf32, #tpu.memory_space<vmem>>
    %dma_start3A_6 = arith.constant 0 : i32
    %dma_start3A_7 = tpu.memref_slice %arg5[%dma_start3A, %dma_start3A_6] : memref<50x128xi32, #tpu.memory_space<vmem>> -> memref<1x64xi32, #tpu.memory_space<vmem>>
    %dma_start3A_8 = tpu.memref_squeeze %dma_start3A_7 : memref<1x64xi32, #tpu.memory_space<vmem>> -> memref<64xi32, #tpu.memory_space<vmem>>
    %dma_start3A_9 = arith.constant 0 : i32
    %dma_start3A_10 = arith.constant 0 : i32
    %dma_start3A_11 = tpu.memref_slice %arg3[%dma_start3A_9, %dma_start3A_10] : memref<100000x128xf32, #tpu.memory_space<hbm>> -> memref<100000x128xf32, #tpu.memory_space<hbm>>
    tpu.enqueue_indirect_dma source(%dma_start3A_11 : memref<100000x128xf32, #tpu.memory_space<hbm>>) target(%dma_start3A_5 : memref<64x128xf32, #tpu.memory_space<vmem>>) offsets(%dma_start3A_8 : memref<64xi32, #tpu.memory_space<vmem>>) semaphore(%arg10 : memref<!tpu.dma_semaphore, #tpu.memory_space<semaphore_mem>>)
    %dma_start3A_12 = arith.constant 0 : i32
    %dma_start3A_13 = arith.constant 64 : i32
    %dma_start3A_14 = arith.constant 0 : i32
    %dma_start3A_15 = tpu.memref_slice %arg6[%dma_start3A_13, %dma_start3A_14] : memref<128x128xf32, #tpu.memory_space<vmem>> -> memref<64x128xf32, #tpu.memory_space<vmem>>
    %dma_start3A_16 = arith.constant 64 : i32
    %dma_start3A_17 = tpu.memref_slice %arg5[%dma_start3A_12, %dma_start3A_16] : memref<50x128xi32, #tpu.memory_space<vmem>> -> memref<1x64xi32, #tpu.memory_space<vmem>>
    %dma_start3A_18 = tpu.memref_squeeze %dma_start3A_17 : memref<1x64xi32, #tpu.memory_space<vmem>> -> memref<64xi32, #tpu.memory_space<vmem>>
    %dma_start3A_19 = arith.constant 0 : i32
    %dma_start3A_20 = arith.constant 0 : i32
    %dma_start3A_21 = tpu.memref_slice %arg3[%dma_start3A_19, %dma_start3A_20] : memref<100000x128xf32, #tpu.memory_space<hbm>> -> memref<100000x128xf32, #tpu.memory_space<hbm>>
    tpu.enqueue_indirect_dma source(%dma_start3A_21 : memref<100000x128xf32, #tpu.memory_space<hbm>>) target(%dma_start3A_15 : memref<64x128xf32, #tpu.memory_space<vmem>>) offsets(%dma_start3A_18 : memref<64xi32, #tpu.memory_space<vmem>>) semaphore(%arg10 : memref<!tpu.dma_semaphore, #tpu.memory_space<semaphore_mem>>)
    %dma_start3A_22 = arith.constant 1 : i32
    %dma_start3A_23 = arith.constant 0 : i32
    %dma_start3A_24 = arith.constant 0 : i32
    %dma_start3A_25 = tpu.memref_slice %arg7[%dma_start3A_23, %dma_start3A_24] : memref<128x128xf32, #tpu.memory_space<vmem>> -> memref<64x128xf32, #tpu.memory_space<vmem>>
    %dma_start3A_26 = arith.constant 0 : i32
    %dma_start3A_27 = tpu.memref_slice %arg5[%dma_start3A_22, %dma_start3A_26] : memref<50x128xi32, #tpu.memory_space<vmem>> -> memref<1x64xi32, #tpu.memory_space<vmem>>
    %dma_start3A_28 = tpu.memref_squeeze %dma_start3A_27 : memref<1x64xi32, #tpu.memory_space<vmem>> -> memref<64xi32, #tpu.memory_space<vmem>>
    %dma_start3A_29 = arith.constant 0 : i32
    %dma_start3A_30 = arith.constant 0 : i32
    %dma_start3A_31 = tpu.memref_slice %arg3[%dma_start3A_29, %dma_start3A_30] : memref<100000x128xf32, #tpu.memory_space<hbm>> -> memref<100000x128xf32, #tpu.memory_space<hbm>>
    tpu.enqueue_indirect_dma source(%dma_start3A_31 : memref<100000x128xf32, #tpu.memory_space<hbm>>) target(%dma_start3A_25 : memref<64x128xf32, #tpu.memory_space<vmem>>) offsets(%dma_start3A_28 : memref<64xi32, #tpu.memory_space<vmem>>) semaphore(%arg11 : memref<!tpu.dma_semaphore, #tpu.memory_space<semaphore_mem>>)
    %dma_start3A_32 = arith.constant 1 : i32
    %dma_start3A_33 = arith.constant 64 : i32
    %dma_start3A_34 = arith.constant 0 : i32
    %dma_start3A_35 = tpu.memref_slice %arg7[%dma_start3A_33, %dma_start3A_34] : memref<128x128xf32, #tpu.memory_space<vmem>> -> memref<64x128xf32, #tpu.memory_space<vmem>>
    %dma_start3A_36 = arith.constant 64 : i32
    %dma_start3A_37 = tpu.memref_slice %arg5[%dma_start3A_32, %dma_start3A_36] : memref<50x128xi32, #tpu.memory_space<vmem>> -> memref<1x64xi32, #tpu.memory_space<vmem>>
    %dma_start3A_38 = tpu.memref_squeeze %dma_start3A_37 : memref<1x64xi32, #tpu.memory_space<vmem>> -> memref<64xi32, #tpu.memory_space<vmem>>
    %dma_start3A_39 = arith.constant 0 : i32
    %dma_start3A_40 = arith.constant 0 : i32
    %dma_start3A_41 = tpu.memref_slice %arg3[%dma_start3A_39, %dma_start3A_40] : memref<100000x128xf32, #tpu.memory_space<hbm>> -> memref<100000x128xf32, #tpu.memory_space<hbm>>
    tpu.enqueue_indirect_dma source(%dma_start3A_41 : memref<100000x128xf32, #tpu.memory_space<hbm>>) target(%dma_start3A_35 : memref<64x128xf32, #tpu.memory_space<vmem>>) offsets(%dma_start3A_38 : memref<64xi32, #tpu.memory_space<vmem>>) semaphore(%arg11 : memref<!tpu.dma_semaphore, #tpu.memory_space<semaphore_mem>>)
    %dma_wait3A = arith.constant 0 : i32
    %dma_wait3A_42 = arith.constant 0 : i32
    %dma_wait3A_43 = arith.constant 0 : i32
    %dma_wait3A_44 = tpu.memref_slice %arg6[%dma_wait3A_42, %dma_wait3A_43] : memref<128x128xf32, #tpu.memory_space<vmem>> -> memref<64x128xf32, #tpu.memory_space<vmem>>
    %dma_wait3A_45 = arith.constant 0 : i32
    %dma_wait3A_46 = tpu.memref_slice %arg5[%dma_wait3A, %dma_wait3A_45] : memref<50x128xi32, #tpu.memory_space<vmem>> -> memref<1x64xi32, #tpu.memory_space<vmem>>
    %dma_wait3A_47 = tpu.memref_squeeze %dma_wait3A_46 : memref<1x64xi32, #tpu.memory_space<vmem>> -> memref<64xi32, #tpu.memory_space<vmem>>
    %dma_wait3A_48 = arith.constant 0 : i32
    %dma_wait3A_49 = arith.constant 0 : i32
    %dma_wait3A_50 = tpu.memref_slice %arg3[%dma_wait3A_48, %dma_wait3A_49] : memref<100000x128xf32, #tpu.memory_space<hbm>> -> memref<100000x128xf32, #tpu.memory_space<hbm>>
    tpu.wait_indirect_dma semaphore(%arg10 : memref<!tpu.dma_semaphore, #tpu.memory_space<semaphore_mem>>) src(%dma_wait3A_50 : memref<100000x128xf32, #tpu.memory_space<hbm>>) dst(%dma_wait3A_44 : memref<64x128xf32, #tpu.memory_space<vmem>>)
    %dma_wait3A_51 = arith.constant 0 : i32
    %dma_wait3A_52 = arith.constant 64 : i32
    %dma_wait3A_53 = arith.constant 0 : i32
    %dma_wait3A_54 = tpu.memref_slice %arg6[%dma_wait3A_52, %dma_wait3A_53] : memref<128x128xf32, #tpu.memory_space<vmem>> -> memref<64x128xf32, #tpu.memory_space<vmem>>
    %dma_wait3A_55 = arith.constant 64 : i32
    %dma_wait3A_56 = tpu.memref_slice %arg5[%dma_wait3A_51, %dma_wait3A_55] : memref<50x128xi32, #tpu.memory_space<vmem>> -> memref<1x64xi32, #tpu.memory_space<vmem>>
    %dma_wait3A_57 = tpu.memref_squeeze %dma_wait3A_56 : memref<1x64xi32, #tpu.memory_space<vmem>> -> memref<64xi32, #tpu.memory_space<vmem>>
    %dma_wait3A_58 = arith.constant 0 : i32
    %dma_wait3A_59 = arith.constant 0 : i32
    %dma_wait3A_60 = tpu.memref_slice %arg3[%dma_wait3A_58, %dma_wait3A_59] : memref<100000x128xf32, #tpu.memory_space<hbm>> -> memref<100000x128xf32, #tpu.memory_space<hbm>>
    tpu.wait_indirect_dma semaphore(%arg10 : memref<!tpu.dma_semaphore, #tpu.memory_space<semaphore_mem>>) src(%dma_wait3A_60 : memref<100000x128xf32, #tpu.memory_space<hbm>>) dst(%dma_wait3A_54 : memref<64x128xf32, #tpu.memory_space<vmem>>)
    %dma_start3A_61 = arith.constant 0 : i32
    %dma_start3A_62 = arith.constant 0 : i32
    %dma_start3A_63 = tpu.memref_slice %arg4[%dma_start3A_61, %mul3A_2, %dma_start3A_62] : memref<50x4096x128xf32, #tpu.memory_space<hbm>> -> memref<1x128x128xf32, #tpu.memory_space<hbm>>
    %dma_start3A_64 = tpu.memref_squeeze %dma_start3A_63 : memref<1x128x128xf32, #tpu.memory_space<hbm>> -> memref<128x128xf32, #tpu.memory_space<hbm>>
    %dma_start3A_65 = arith.constant 0 : i32
    %dma_start3A_66 = tpu.memref_slice %arg4[%dma_start3A_61, %mul3A_2, %dma_start3A_65] : memref<50x4096x128xf32, #tpu.memory_space<hbm>> -> memref<1x128x128xf32, #tpu.memory_space<hbm>>
    %dma_start3A_67 = tpu.memref_squeeze %dma_start3A_66 : memref<1x128x128xf32, #tpu.memory_space<hbm>> -> memref<128x128xf32, #tpu.memory_space<hbm>>
    tpu.enqueue_dma source(%arg6 : memref<128x128xf32, #tpu.memory_space<vmem>>) target(%dma_start3A_67 : memref<128x128xf32, #tpu.memory_space<hbm>>) target_semaphore(%arg14 : memref<!tpu.dma_semaphore, #tpu.memory_space<semaphore_mem>>)
    %dma_start3A_68 = arith.constant 2 : i32
    %dma_start3A_69 = arith.constant 0 : i32
    %dma_start3A_70 = arith.constant 0 : i32
    %dma_start3A_71 = tpu.memref_slice %arg8[%dma_start3A_69, %dma_start3A_70] : memref<128x128xf32, #tpu.memory_space<vmem>> -> memref<64x128xf32, #tpu.memory_space<vmem>>
    %dma_start3A_72 = arith.constant 0 : i32
    %dma_start3A_73 = tpu.memref_slice %arg5[%dma_start3A_68, %dma_start3A_72] : memref<50x128xi32, #tpu.memory_space<vmem>> -> memref<1x64xi32, #tpu.memory_space<vmem>>
    %dma_start3A_74 = tpu.memref_squeeze %dma_start3A_73 : memref<1x64xi32, #tpu.memory_space<vmem>> -> memref<64xi32, #tpu.memory_space<vmem>>
    %dma_start3A_75 = arith.constant 0 : i32
    %dma_start3A_76 = arith.constant 0 : i32
    %dma_start3A_77 = tpu.memref_slice %arg3[%dma_start3A_75, %dma_start3A_76] : memref<100000x128xf32, #tpu.memory_space<hbm>> -> memref<100000x128xf32, #tpu.memory_space<hbm>>
    tpu.enqueue_indirect_dma source(%dma_start3A_77 : memref<100000x128xf32, #tpu.memory_space<hbm>>) target(%dma_start3A_71 : memref<64x128xf32, #tpu.memory_space<vmem>>) offsets(%dma_start3A_74 : memref<64xi32, #tpu.memory_space<vmem>>) semaphore(%arg12 : memref<!tpu.dma_semaphore, #tpu.memory_space<semaphore_mem>>)
    %dma_start3A_78 = arith.constant 2 : i32
    %dma_start3A_79 = arith.constant 64 : i32
    %dma_start3A_80 = arith.constant 0 : i32
    %dma_start3A_81 = tpu.memref_slice %arg8[%dma_start3A_79, %dma_start3A_80] : memref<128x128xf32, #tpu.memory_space<vmem>> -> memref<64x128xf32, #tpu.memory_space<vmem>>
    %dma_start3A_82 = arith.constant 64 : i32
    %dma_start3A_83 = tpu.memref_slice %arg5[%dma_start3A_78, %dma_start3A_82] : memref<50x128xi32, #tpu.memory_space<vmem>> -> memref<1x64xi32, #tpu.memory_space<vmem>>
    %dma_start3A_84 = tpu.memref_squeeze %dma_start3A_83 : memref<1x64xi32, #tpu.memory_space<vmem>> -> memref<64xi32, #tpu.memory_space<vmem>>
    %dma_start3A_85 = arith.constant 0 : i32
    %dma_start3A_86 = arith.constant 0 : i32
    %dma_start3A_87 = tpu.memref_slice %arg3[%dma_start3A_85, %dma_start3A_86] : memref<100000x128xf32, #tpu.memory_space<hbm>> -> memref<100000x128xf32, #tpu.memory_space<hbm>>
    tpu.enqueue_indirect_dma source(%dma_start3A_87 : memref<100000x128xf32, #tpu.memory_space<hbm>>) target(%dma_start3A_81 : memref<64x128xf32, #tpu.memory_space<vmem>>) offsets(%dma_start3A_84 : memref<64xi32, #tpu.memory_space<vmem>>) semaphore(%arg12 : memref<!tpu.dma_semaphore, #tpu.memory_space<semaphore_mem>>)
    %dma_wait3A_88 = arith.constant 1 : i32
    %dma_wait3A_89 = arith.constant 0 : i32
    %dma_wait3A_90 = arith.constant 0 : i32
    %dma_wait3A_91 = tpu.memref_slice %arg7[%dma_wait3A_89, %dma_wait3A_90] : memref<128x128xf32, #tpu.memory_space<vmem>> -> memref<64x128xf32, #tpu.memory_space<vmem>>
    %dma_wait3A_92 = arith.constant 0 : i32
    %dma_wait3A_93 = tpu.memref_slice %arg5[%dma_wait3A_88, %dma_wait3A_92] : memref<50x128xi32, #tpu.memory_space<vmem>> -> memref<1x64xi32, #tpu.memory_space<vmem>>
    %dma_wait3A_94 = tpu.memref_squeeze %dma_wait3A_93 : memref<1x64xi32, #tpu.memory_space<vmem>> -> memref<64xi32, #tpu.memory_space<vmem>>
    %dma_wait3A_95 = arith.constant 0 : i32
    %dma_wait3A_96 = arith.constant 0 : i32
    %dma_wait3A_97 = tpu.memref_slice %arg3[%dma_wait3A_95, %dma_wait3A_96] : memref<100000x128xf32, #tpu.memory_space<hbm>> -> memref<100000x128xf32, #tpu.memory_space<hbm>>
    tpu.wait_indirect_dma semaphore(%arg11 : memref<!tpu.dma_semaphore, #tpu.memory_space<semaphore_mem>>) src(%dma_wait3A_97 : memref<100000x128xf32, #tpu.memory_space<hbm>>) dst(%dma_wait3A_91 : memref<64x128xf32, #tpu.memory_space<vmem>>)
    %dma_wait3A_98 = arith.constant 1 : i32
    %dma_wait3A_99 = arith.constant 64 : i32
    %dma_wait3A_100 = arith.constant 0 : i32
    %dma_wait3A_101 = tpu.memref_slice %arg7[%dma_wait3A_99, %dma_wait3A_100] : memref<128x128xf32, #tpu.memory_space<vmem>> -> memref<64x128xf32, #tpu.memory_space<vmem>>
    %dma_wait3A_102 = arith.constant 64 : i32
    %dma_wait3A_103 = tpu.memref_slice %arg5[%dma_wait3A_98, %dma_wait3A_102] : memref<50x128xi32, #tpu.memory_space<vmem>> -> memref<1x64xi32, #tpu.memory_space<vmem>>
    %dma_wait3A_104 = tpu.memref_squeeze %dma_wait3A_103 : memref<1x64xi32, #tpu.memory_space<vmem>> -> memref<64xi32, #tpu.memory_space<vmem>>
    %dma_wait3A_105 = arith.constant 0 : i32
    %dma_wait3A_106 = arith.constant 0 : i32
    %dma_wait3A_107 = tpu.memref_slice %arg3[%dma_wait3A_105, %dma_wait3A_106] : memref<100000x128xf32, #tpu.memory_space<hbm>> -> memref<100000x128xf32, #tpu.memory_space<hbm>>
    tpu.wait_indirect_dma semaphore(%arg11 : memref<!tpu.dma_semaphore, #tpu.memory_space<semaphore_mem>>) src(%dma_wait3A_107 : memref<100000x128xf32, #tpu.memory_space<hbm>>) dst(%dma_wait3A_101 : memref<64x128xf32, #tpu.memory_space<vmem>>)
    %dma_start3A_108 = arith.constant 1 : i32
    %dma_start3A_109 = arith.constant 0 : i32
    %dma_start3A_110 = tpu.memref_slice %arg4[%dma_start3A_108, %mul3A_2, %dma_start3A_109] : memref<50x4096x128xf32, #tpu.memory_space<hbm>> -> memref<1x128x128xf32, #tpu.memory_space<hbm>>
    %dma_start3A_111 = tpu.memref_squeeze %dma_start3A_110 : memref<1x128x128xf32, #tpu.memory_space<hbm>> -> memref<128x128xf32, #tpu.memory_space<hbm>>
    %dma_start3A_112 = arith.constant 0 : i32
    %dma_start3A_113 = tpu.memref_slice %arg4[%dma_start3A_108, %mul3A_2, %dma_start3A_112] : memref<50x4096x128xf32, #tpu.memory_space<hbm>> -> memref<1x128x128xf32, #tpu.memory_space<hbm>>
    %dma_start3A_114 = tpu.memref_squeeze %dma_start3A_113 : memref<1x128x128xf32, #tpu.memory_space<hbm>> -> memref<128x128xf32, #tpu.memory_space<hbm>>
    tpu.enqueue_dma source(%arg7 : memref<128x128xf32, #tpu.memory_space<vmem>>) target(%dma_start3A_114 : memref<128x128xf32, #tpu.memory_space<hbm>>) target_semaphore(%arg15 : memref<!tpu.dma_semaphore, #tpu.memory_space<semaphore_mem>>)
    %dma_start3A_115 = arith.constant 3 : i32
    %dma_start3A_116 = arith.constant 0 : i32
    %dma_start3A_117 = arith.constant 0 : i32
    %dma_start3A_118 = tpu.memref_slice %arg9[%dma_start3A_116, %dma_start3A_117] : memref<128x128xf32, #tpu.memory_space<vmem>> -> memref<64x128xf32, #tpu.memory_space<vmem>>
    %dma_start3A_119 = arith.constant 0 : i32
    %dma_start3A_120 = tpu.memref_slice %arg5[%dma_start3A_115, %dma_start3A_119] : memref<50x128xi32, #tpu.memory_space<vmem>> -> memref<1x64xi32, #tpu.memory_space<vmem>>
    %dma_start3A_121 = tpu.memref_squeeze %dma_start3A_120 : memref<1x64xi32, #tpu.memory_space<vmem>> -> memref<64xi32, #tpu.memory_space<vmem>>
    %dma_start3A_122 = arith.constant 0 : i32
    %dma_start3A_123 = arith.constant 0 : i32
    %dma_start3A_124 = tpu.memref_slice %arg3[%dma_start3A_122, %dma_start3A_123] : memref<100000x128xf32, #tpu.memory_space<hbm>> -> memref<100000x128xf32, #tpu.memory_space<hbm>>
    tpu.enqueue_indirect_dma source(%dma_start3A_124 : memref<100000x128xf32, #tpu.memory_space<hbm>>) target(%dma_start3A_118 : memref<64x128xf32, #tpu.memory_space<vmem>>) offsets(%dma_start3A_121 : memref<64xi32, #tpu.memory_space<vmem>>) semaphore(%arg13 : memref<!tpu.dma_semaphore, #tpu.memory_space<semaphore_mem>>)
    %dma_start3A_125 = arith.constant 3 : i32
    %dma_start3A_126 = arith.constant 64 : i32
    %dma_start3A_127 = arith.constant 0 : i32
    %dma_start3A_128 = tpu.memref_slice %arg9[%dma_start3A_126, %dma_start3A_127] : memref<128x128xf32, #tpu.memory_space<vmem>> -> memref<64x128xf32, #tpu.memory_space<vmem>>
    %dma_start3A_129 = arith.constant 64 : i32
    %dma_start3A_130 = tpu.memref_slice %arg5[%dma_start3A_125, %dma_start3A_129] : memref<50x128xi32, #tpu.memory_space<vmem>> -> memref<1x64xi32, #tpu.memory_space<vmem>>
    %dma_start3A_131 = tpu.memref_squeeze %dma_start3A_130 : memref<1x64xi32, #tpu.memory_space<vmem>> -> memref<64xi32, #tpu.memory_space<vmem>>
    %dma_start3A_132 = arith.constant 0 : i32
    %dma_start3A_133 = arith.constant 0 : i32
    %dma_start3A_134 = tpu.memref_slice %arg3[%dma_start3A_132, %dma_start3A_133] : memref<100000x128xf32, #tpu.memory_space<hbm>> -> memref<100000x128xf32, #tpu.memory_space<hbm>>
    tpu.enqueue_indirect_dma source(%dma_start3A_134 : memref<100000x128xf32, #tpu.memory_space<hbm>>) target(%dma_start3A_128 : memref<64x128xf32, #tpu.memory_space<vmem>>) offsets(%dma_start3A_131 : memref<64xi32, #tpu.memory_space<vmem>>) semaphore(%arg13 : memref<!tpu.dma_semaphore, #tpu.memory_space<semaphore_mem>>)
    %scan3A = arith.constant 0 : i32
    %scan3A_135 = arith.constant 0 : i32
    %scan3A_136 = arith.constant 11 : i32
    %scan3A_137 = arith.addi %scan3A_135, %scan3A_136 : i32
    %scan3A_138 = arith.constant 1 : i32
    scf.for %scan3A_330 = %scan3A_135 to %scan3A_137 step %scan3A_138  : i32 {
      %mul3A_331 = arith.constant 4 : i32
      %mul3A_332 = arith.muli %scan3A_330, %mul3A_331 : i32
      %add3A_333 = arith.constant 2 : i32
      %add3A_334 = arith.addi %add3A_333, %mul3A_332 : i32
      %add3A_335 = arith.constant 0 : i32
      %add3A_336 = arith.addi %add3A_334, %add3A_335 : i32
      %dma_wait3A_337 = arith.constant 0 : i32
      %dma_wait3A_338 = arith.constant 0 : i32
      %dma_wait3A_339 = tpu.memref_slice %arg8[%dma_wait3A_337, %dma_wait3A_338] : memref<128x128xf32, #tpu.memory_space<vmem>> -> memref<64x128xf32, #tpu.memory_space<vmem>>
      %dma_wait3A_340 = arith.constant 0 : i32
      %dma_wait3A_341 = tpu.memref_slice %arg5[%add3A_336, %dma_wait3A_340] : memref<50x128xi32, #tpu.memory_space<vmem>> -> memref<1x64xi32, #tpu.memory_space<vmem>>
      %dma_wait3A_342 = tpu.memref_squeeze %dma_wait3A_341 : memref<1x64xi32, #tpu.memory_space<vmem>> -> memref<64xi32, #tpu.memory_space<vmem>>
      %dma_wait3A_343 = arith.constant 0 : i32
      %dma_wait3A_344 = arith.constant 0 : i32
      %dma_wait3A_345 = tpu.memref_slice %arg3[%dma_wait3A_343, %dma_wait3A_344] : memref<100000x128xf32, #tpu.memory_space<hbm>> -> memref<100000x128xf32, #tpu.memory_space<hbm>>
      tpu.wait_indirect_dma semaphore(%arg12 : memref<!tpu.dma_semaphore, #tpu.memory_space<semaphore_mem>>) src(%dma_wait3A_345 : memref<100000x128xf32, #tpu.memory_space<hbm>>) dst(%dma_wait3A_339 : memref<64x128xf32, #tpu.memory_space<vmem>>)
      %dma_wait3A_346 = arith.constant 64 : i32
      %dma_wait3A_347 = arith.constant 0 : i32
      %dma_wait3A_348 = tpu.memref_slice %arg8[%dma_wait3A_346, %dma_wait3A_347] : memref<128x128xf32, #tpu.memory_space<vmem>> -> memref<64x128xf32, #tpu.memory_space<vmem>>
      %dma_wait3A_349 = arith.constant 64 : i32
      %dma_wait3A_350 = tpu.memref_slice %arg5[%add3A_336, %dma_wait3A_349] : memref<50x128xi32, #tpu.memory_space<vmem>> -> memref<1x64xi32, #tpu.memory_space<vmem>>
      %dma_wait3A_351 = tpu.memref_squeeze %dma_wait3A_350 : memref<1x64xi32, #tpu.memory_space<vmem>> -> memref<64xi32, #tpu.memory_space<vmem>>
      %dma_wait3A_352 = arith.constant 0 : i32
      %dma_wait3A_353 = arith.constant 0 : i32
      %dma_wait3A_354 = tpu.memref_slice %arg3[%dma_wait3A_352, %dma_wait3A_353] : memref<100000x128xf32, #tpu.memory_space<hbm>> -> memref<100000x128xf32, #tpu.memory_space<hbm>>
      tpu.wait_indirect_dma semaphore(%arg12 : memref<!tpu.dma_semaphore, #tpu.memory_space<semaphore_mem>>) src(%dma_wait3A_354 : memref<100000x128xf32, #tpu.memory_space<hbm>>) dst(%dma_wait3A_348 : memref<64x128xf32, #tpu.memory_space<vmem>>)
      %dma_start3A_355 = arith.constant 0 : i32
      %dma_start3A_356 = tpu.memref_slice %arg4[%add3A_336, %mul3A_2, %dma_start3A_355] : memref<50x4096x128xf32, #tpu.memory_space<hbm>> -> memref<1x128x128xf32, #tpu.memory_space<hbm>>
      %dma_start3A_357 = tpu.memref_squeeze %dma_start3A_356 : memref<1x128x128xf32, #tpu.memory_space<hbm>> -> memref<128x128xf32, #tpu.memory_space<hbm>>
      %dma_start3A_358 = arith.constant 0 : i32
      %dma_start3A_359 = tpu.memref_slice %arg4[%add3A_336, %mul3A_2, %dma_start3A_358] : memref<50x4096x128xf32, #tpu.memory_space<hbm>> -> memref<1x128x128xf32, #tpu.memory_space<hbm>>
      %dma_start3A_360 = tpu.memref_squeeze %dma_start3A_359 : memref<1x128x128xf32, #tpu.memory_space<hbm>> -> memref<128x128xf32, #tpu.memory_space<hbm>>
      tpu.enqueue_dma source(%arg8 : memref<128x128xf32, #tpu.memory_space<vmem>>) target(%dma_start3A_360 : memref<128x128xf32, #tpu.memory_space<hbm>>) target_semaphore(%arg16 : memref<!tpu.dma_semaphore, #tpu.memory_space<semaphore_mem>>)
      %sub3A = arith.constant 2 : i32
      %sub3A_361 = arith.subi %add3A_336, %sub3A : i32
      %dma_wait3A_362 = arith.constant 0 : i32
      %dma_wait3A_363 = tpu.memref_slice %arg4[%sub3A_361, %mul3A_2, %dma_wait3A_362] : memref<50x4096x128xf32, #tpu.memory_space<hbm>> -> memref<1x128x128xf32, #tpu.memory_space<hbm>>
      %dma_wait3A_364 = tpu.memref_squeeze %dma_wait3A_363 : memref<1x128x128xf32, #tpu.memory_space<hbm>> -> memref<128x128xf32, #tpu.memory_space<hbm>>
      %dma_wait3A_365 = arith.constant 0 : i32
      %dma_wait3A_366 = tpu.memref_slice %arg4[%sub3A_361, %mul3A_2, %dma_wait3A_365] : memref<50x4096x128xf32, #tpu.memory_space<hbm>> -> memref<1x128x128xf32, #tpu.memory_space<hbm>>
      %dma_wait3A_367 = tpu.memref_squeeze %dma_wait3A_366 : memref<1x128x128xf32, #tpu.memory_space<hbm>> -> memref<128x128xf32, #tpu.memory_space<hbm>>
      tpu.wait_dma2 semaphore(%arg14 : memref<!tpu.dma_semaphore, #tpu.memory_space<semaphore_mem>>) src(%arg6 : memref<128x128xf32, #tpu.memory_space<vmem>>) dst(%dma_wait3A_367 : memref<128x128xf32, #tpu.memory_space<hbm>>)
      %add3A_368 = arith.constant 2 : i32
      %add3A_369 = arith.addi %add3A_336, %add3A_368 : i32
      %dma_start3A_370 = arith.constant 0 : i32
      %dma_start3A_371 = arith.constant 0 : i32
      %dma_start3A_372 = tpu.memref_slice %arg6[%dma_start3A_370, %dma_start3A_371] : memref<128x128xf32, #tpu.memory_space<vmem>> -> memref<64x128xf32, #tpu.memory_space<vmem>>
      %dma_start3A_373 = arith.constant 0 : i32
      %dma_start3A_374 = tpu.memref_slice %arg5[%add3A_369, %dma_start3A_373] : memref<50x128xi32, #tpu.memory_space<vmem>> -> memref<1x64xi32, #tpu.memory_space<vmem>>
      %dma_start3A_375 = tpu.memref_squeeze %dma_start3A_374 : memref<1x64xi32, #tpu.memory_space<vmem>> -> memref<64xi32, #tpu.memory_space<vmem>>
      %dma_start3A_376 = arith.constant 0 : i32
      %dma_start3A_377 = arith.constant 0 : i32
      %dma_start3A_378 = tpu.memref_slice %arg3[%dma_start3A_376, %dma_start3A_377] : memref<100000x128xf32, #tpu.memory_space<hbm>> -> memref<100000x128xf32, #tpu.memory_space<hbm>>
      tpu.enqueue_indirect_dma source(%dma_start3A_378 : memref<100000x128xf32, #tpu.memory_space<hbm>>) target(%dma_start3A_372 : memref<64x128xf32, #tpu.memory_space<vmem>>) offsets(%dma_start3A_375 : memref<64xi32, #tpu.memory_space<vmem>>) semaphore(%arg10 : memref<!tpu.dma_semaphore, #tpu.memory_space<semaphore_mem>>)
      %dma_start3A_379 = arith.constant 64 : i32
      %dma_start3A_380 = arith.constant 0 : i32
      %dma_start3A_381 = tpu.memref_slice %arg6[%dma_start3A_379, %dma_start3A_380] : memref<128x128xf32, #tpu.memory_space<vmem>> -> memref<64x128xf32, #tpu.memory_space<vmem>>
      %dma_start3A_382 = arith.constant 64 : i32
      %dma_start3A_383 = tpu.memref_slice %arg5[%add3A_369, %dma_start3A_382] : memref<50x128xi32, #tpu.memory_space<vmem>> -> memref<1x64xi32, #tpu.memory_space<vmem>>
      %dma_start3A_384 = tpu.memref_squeeze %dma_start3A_383 : memref<1x64xi32, #tpu.memory_space<vmem>> -> memref<64xi32, #tpu.memory_space<vmem>>
      %dma_start3A_385 = arith.constant 0 : i32
      %dma_start3A_386 = arith.constant 0 : i32
      %dma_start3A_387 = tpu.memref_slice %arg3[%dma_start3A_385, %dma_start3A_386] : memref<100000x128xf32, #tpu.memory_space<hbm>> -> memref<100000x128xf32, #tpu.memory_space<hbm>>
      tpu.enqueue_indirect_dma source(%dma_start3A_387 : memref<100000x128xf32, #tpu.memory_space<hbm>>) target(%dma_start3A_381 : memref<64x128xf32, #tpu.memory_space<vmem>>) offsets(%dma_start3A_384 : memref<64xi32, #tpu.memory_space<vmem>>) semaphore(%arg10 : memref<!tpu.dma_semaphore, #tpu.memory_space<semaphore_mem>>)
      %add3A_388 = arith.constant 1 : i32
      %add3A_389 = arith.addi %add3A_334, %add3A_388 : i32
      %dma_wait3A_390 = arith.constant 0 : i32
      %dma_wait3A_391 = arith.constant 0 : i32
      %dma_wait3A_392 = tpu.memref_slice %arg9[%dma_wait3A_390, %dma_wait3A_391] : memref<128x128xf32, #tpu.memory_space<vmem>> -> memref<64x128xf32, #tpu.memory_space<vmem>>
      %dma_wait3A_393 = arith.constant 0 : i32
      %dma_wait3A_394 = tpu.memref_slice %arg5[%add3A_389, %dma_wait3A_393] : memref<50x128xi32, #tpu.memory_space<vmem>> -> memref<1x64xi32, #tpu.memory_space<vmem>>
      %dma_wait3A_395 = tpu.memref_squeeze %dma_wait3A_394 : memref<1x64xi32, #tpu.memory_space<vmem>> -> memref<64xi32, #tpu.memory_space<vmem>>
      %dma_wait3A_396 = arith.constant 0 : i32
      %dma_wait3A_397 = arith.constant 0 : i32
      %dma_wait3A_398 = tpu.memref_slice %arg3[%dma_wait3A_396, %dma_wait3A_397] : memref<100000x128xf32, #tpu.memory_space<hbm>> -> memref<100000x128xf32, #tpu.memory_space<hbm>>
      tpu.wait_indirect_dma semaphore(%arg13 : memref<!tpu.dma_semaphore, #tpu.memory_space<semaphore_mem>>) src(%dma_wait3A_398 : memref<100000x128xf32, #tpu.memory_space<hbm>>) dst(%dma_wait3A_392 : memref<64x128xf32, #tpu.memory_space<vmem>>)
      %dma_wait3A_399 = arith.constant 64 : i32
      %dma_wait3A_400 = arith.constant 0 : i32
      %dma_wait3A_401 = tpu.memref_slice %arg9[%dma_wait3A_399, %dma_wait3A_400] : memref<128x128xf32, #tpu.memory_space<vmem>> -> memref<64x128xf32, #tpu.memory_space<vmem>>
      %dma_wait3A_402 = arith.constant 64 : i32
      %dma_wait3A_403 = tpu.memref_slice %arg5[%add3A_389, %dma_wait3A_402] : memref<50x128xi32, #tpu.memory_space<vmem>> -> memref<1x64xi32, #tpu.memory_space<vmem>>
      %dma_wait3A_404 = tpu.memref_squeeze %dma_wait3A_403 : memref<1x64xi32, #tpu.memory_space<vmem>> -> memref<64xi32, #tpu.memory_space<vmem>>
      %dma_wait3A_405 = arith.constant 0 : i32
      %dma_wait3A_406 = arith.constant 0 : i32
      %dma_wait3A_407 = tpu.memref_slice %arg3[%dma_wait3A_405, %dma_wait3A_406] : memref<100000x128xf32, #tpu.memory_space<hbm>> -> memref<100000x128xf32, #tpu.memory_space<hbm>>
      tpu.wait_indirect_dma semaphore(%arg13 : memref<!tpu.dma_semaphore, #tpu.memory_space<semaphore_mem>>) src(%dma_wait3A_407 : memref<100000x128xf32, #tpu.memory_space<hbm>>) dst(%dma_wait3A_401 : memref<64x128xf32, #tpu.memory_space<vmem>>)
      %dma_start3A_408 = arith.constant 0 : i32
      %dma_start3A_409 = tpu.memref_slice %arg4[%add3A_389, %mul3A_2, %dma_start3A_408] : memref<50x4096x128xf32, #tpu.memory_space<hbm>> -> memref<1x128x128xf32, #tpu.memory_space<hbm>>
      %dma_start3A_410 = tpu.memref_squeeze %dma_start3A_409 : memref<1x128x128xf32, #tpu.memory_space<hbm>> -> memref<128x128xf32, #tpu.memory_space<hbm>>
      %dma_start3A_411 = arith.constant 0 : i32
      %dma_start3A_412 = tpu.memref_slice %arg4[%add3A_389, %mul3A_2, %dma_start3A_411] : memref<50x4096x128xf32, #tpu.memory_space<hbm>> -> memref<1x128x128xf32, #tpu.memory_space<hbm>>
      %dma_start3A_413 = tpu.memref_squeeze %dma_start3A_412 : memref<1x128x128xf32, #tpu.memory_space<hbm>> -> memref<128x128xf32, #tpu.memory_space<hbm>>
      tpu.enqueue_dma source(%arg9 : memref<128x128xf32, #tpu.memory_space<vmem>>) target(%dma_start3A_413 : memref<128x128xf32, #tpu.memory_space<hbm>>) target_semaphore(%arg17 : memref<!tpu.dma_semaphore, #tpu.memory_space<semaphore_mem>>)
      %sub3A_414 = arith.constant 2 : i32
      %sub3A_415 = arith.subi %add3A_389, %sub3A_414 : i32
      %dma_wait3A_416 = arith.constant 0 : i32
      %dma_wait3A_417 = tpu.memref_slice %arg4[%sub3A_415, %mul3A_2, %dma_wait3A_416] : memref<50x4096x128xf32, #tpu.memory_space<hbm>> -> memref<1x128x128xf32, #tpu.memory_space<hbm>>
      %dma_wait3A_418 = tpu.memref_squeeze %dma_wait3A_417 : memref<1x128x128xf32, #tpu.memory_space<hbm>> -> memref<128x128xf32, #tpu.memory_space<hbm>>
      %dma_wait3A_419 = arith.constant 0 : i32
      %dma_wait3A_420 = tpu.memref_slice %arg4[%sub3A_415, %mul3A_2, %dma_wait3A_419] : memref<50x4096x128xf32, #tpu.memory_space<hbm>> -> memref<1x128x128xf32, #tpu.memory_space<hbm>>
      %dma_wait3A_421 = tpu.memref_squeeze %dma_wait3A_420 : memref<1x128x128xf32, #tpu.memory_space<hbm>> -> memref<128x128xf32, #tpu.memory_space<hbm>>
      tpu.wait_dma2 semaphore(%arg15 : memref<!tpu.dma_semaphore, #tpu.memory_space<semaphore_mem>>) src(%arg7 : memref<128x128xf32, #tpu.memory_space<vmem>>) dst(%dma_wait3A_421 : memref<128x128xf32, #tpu.memory_space<hbm>>)
      %add3A_422 = arith.constant 2 : i32
      %add3A_423 = arith.addi %add3A_389, %add3A_422 : i32
      %dma_start3A_424 = arith.constant 0 : i32
      %dma_start3A_425 = arith.constant 0 : i32
      %dma_start3A_426 = tpu.memref_slice %arg7[%dma_start3A_424, %dma_start3A_425] : memref<128x128xf32, #tpu.memory_space<vmem>> -> memref<64x128xf32, #tpu.memory_space<vmem>>
      %dma_start3A_427 = arith.constant 0 : i32
      %dma_start3A_428 = tpu.memref_slice %arg5[%add3A_423, %dma_start3A_427] : memref<50x128xi32, #tpu.memory_space<vmem>> -> memref<1x64xi32, #tpu.memory_space<vmem>>
      %dma_start3A_429 = tpu.memref_squeeze %dma_start3A_428 : memref<1x64xi32, #tpu.memory_space<vmem>> -> memref<64xi32, #tpu.memory_space<vmem>>
      %dma_start3A_430 = arith.constant 0 : i32
      %dma_start3A_431 = arith.constant 0 : i32
      %dma_start3A_432 = tpu.memref_slice %arg3[%dma_start3A_430, %dma_start3A_431] : memref<100000x128xf32, #tpu.memory_space<hbm>> -> memref<100000x128xf32, #tpu.memory_space<hbm>>
      tpu.enqueue_indirect_dma source(%dma_start3A_432 : memref<100000x128xf32, #tpu.memory_space<hbm>>) target(%dma_start3A_426 : memref<64x128xf32, #tpu.memory_space<vmem>>) offsets(%dma_start3A_429 : memref<64xi32, #tpu.memory_space<vmem>>) semaphore(%arg11 : memref<!tpu.dma_semaphore, #tpu.memory_space<semaphore_mem>>)
      %dma_start3A_433 = arith.constant 64 : i32
      %dma_start3A_434 = arith.constant 0 : i32
      %dma_start3A_435 = tpu.memref_slice %arg7[%dma_start3A_433, %dma_start3A_434] : memref<128x128xf32, #tpu.memory_space<vmem>> -> memref<64x128xf32, #tpu.memory_space<vmem>>
      %dma_start3A_436 = arith.constant 64 : i32
      %dma_start3A_437 = tpu.memref_slice %arg5[%add3A_423, %dma_start3A_436] : memref<50x128xi32, #tpu.memory_space<vmem>> -> memref<1x64xi32, #tpu.memory_space<vmem>>
      %dma_start3A_438 = tpu.memref_squeeze %dma_start3A_437 : memref<1x64xi32, #tpu.memory_space<vmem>> -> memref<64xi32, #tpu.memory_space<vmem>>
      %dma_start3A_439 = arith.constant 0 : i32
      %dma_start3A_440 = arith.constant 0 : i32
      %dma_start3A_441 = tpu.memref_slice %arg3[%dma_start3A_439, %dma_start3A_440] : memref<100000x128xf32, #tpu.memory_space<hbm>> -> memref<100000x128xf32, #tpu.memory_space<hbm>>
      tpu.enqueue_indirect_dma source(%dma_start3A_441 : memref<100000x128xf32, #tpu.memory_space<hbm>>) target(%dma_start3A_435 : memref<64x128xf32, #tpu.memory_space<vmem>>) offsets(%dma_start3A_438 : memref<64xi32, #tpu.memory_space<vmem>>) semaphore(%arg11 : memref<!tpu.dma_semaphore, #tpu.memory_space<semaphore_mem>>)
      %add3A_442 = arith.constant 2 : i32
      %add3A_443 = arith.addi %add3A_334, %add3A_442 : i32
      %dma_wait3A_444 = arith.constant 0 : i32
      %dma_wait3A_445 = arith.constant 0 : i32
      %dma_wait3A_446 = tpu.memref_slice %arg6[%dma_wait3A_444, %dma_wait3A_445] : memref<128x128xf32, #tpu.memory_space<vmem>> -> memref<64x128xf32, #tpu.memory_space<vmem>>
      %dma_wait3A_447 = arith.constant 0 : i32
      %dma_wait3A_448 = tpu.memref_slice %arg5[%add3A_443, %dma_wait3A_447] : memref<50x128xi32, #tpu.memory_space<vmem>> -> memref<1x64xi32, #tpu.memory_space<vmem>>
      %dma_wait3A_449 = tpu.memref_squeeze %dma_wait3A_448 : memref<1x64xi32, #tpu.memory_space<vmem>> -> memref<64xi32, #tpu.memory_space<vmem>>
      %dma_wait3A_450 = arith.constant 0 : i32
      %dma_wait3A_451 = arith.constant 0 : i32
      %dma_wait3A_452 = tpu.memref_slice %arg3[%dma_wait3A_450, %dma_wait3A_451] : memref<100000x128xf32, #tpu.memory_space<hbm>> -> memref<100000x128xf32, #tpu.memory_space<hbm>>
      tpu.wait_indirect_dma semaphore(%arg10 : memref<!tpu.dma_semaphore, #tpu.memory_space<semaphore_mem>>) src(%dma_wait3A_452 : memref<100000x128xf32, #tpu.memory_space<hbm>>) dst(%dma_wait3A_446 : memref<64x128xf32, #tpu.memory_space<vmem>>)
      %dma_wait3A_453 = arith.constant 64 : i32
      %dma_wait3A_454 = arith.constant 0 : i32
      %dma_wait3A_455 = tpu.memref_slice %arg6[%dma_wait3A_453, %dma_wait3A_454] : memref<128x128xf32, #tpu.memory_space<vmem>> -> memref<64x128xf32, #tpu.memory_space<vmem>>
      %dma_wait3A_456 = arith.constant 64 : i32
      %dma_wait3A_457 = tpu.memref_slice %arg5[%add3A_443, %dma_wait3A_456] : memref<50x128xi32, #tpu.memory_space<vmem>> -> memref<1x64xi32, #tpu.memory_space<vmem>>
      %dma_wait3A_458 = tpu.memref_squeeze %dma_wait3A_457 : memref<1x64xi32, #tpu.memory_space<vmem>> -> memref<64xi32, #tpu.memory_space<vmem>>
      %dma_wait3A_459 = arith.constant 0 : i32
      %dma_wait3A_460 = arith.constant 0 : i32
      %dma_wait3A_461 = tpu.memref_slice %arg3[%dma_wait3A_459, %dma_wait3A_460] : memref<100000x128xf32, #tpu.memory_space<hbm>> -> memref<100000x128xf32, #tpu.memory_space<hbm>>
      tpu.wait_indirect_dma semaphore(%arg10 : memref<!tpu.dma_semaphore, #tpu.memory_space<semaphore_mem>>) src(%dma_wait3A_461 : memref<100000x128xf32, #tpu.memory_space<hbm>>) dst(%dma_wait3A_455 : memref<64x128xf32, #tpu.memory_space<vmem>>)
      %dma_start3A_462 = arith.constant 0 : i32
      %dma_start3A_463 = tpu.memref_slice %arg4[%add3A_443, %mul3A_2, %dma_start3A_462] : memref<50x4096x128xf32, #tpu.memory_space<hbm>> -> memref<1x128x128xf32, #tpu.memory_space<hbm>>
      %dma_start3A_464 = tpu.memref_squeeze %dma_start3A_463 : memref<1x128x128xf32, #tpu.memory_space<hbm>> -> memref<128x128xf32, #tpu.memory_space<hbm>>
      %dma_start3A_465 = arith.constant 0 : i32
      %dma_start3A_466 = tpu.memref_slice %arg4[%add3A_443, %mul3A_2, %dma_start3A_465] : memref<50x4096x128xf32, #tpu.memory_space<hbm>> -> memref<1x128x128xf32, #tpu.memory_space<hbm>>
      %dma_start3A_467 = tpu.memref_squeeze %dma_start3A_466 : memref<1x128x128xf32, #tpu.memory_space<hbm>> -> memref<128x128xf32, #tpu.memory_space<hbm>>
      tpu.enqueue_dma source(%arg6 : memref<128x128xf32, #tpu.memory_space<vmem>>) target(%dma_start3A_467 : memref<128x128xf32, #tpu.memory_space<hbm>>) target_semaphore(%arg14 : memref<!tpu.dma_semaphore, #tpu.memory_space<semaphore_mem>>)
      %sub3A_468 = arith.constant 2 : i32
      %sub3A_469 = arith.subi %add3A_443, %sub3A_468 : i32
      %dma_wait3A_470 = arith.constant 0 : i32
      %dma_wait3A_471 = tpu.memref_slice %arg4[%sub3A_469, %mul3A_2, %dma_wait3A_470] : memref<50x4096x128xf32, #tpu.memory_space<hbm>> -> memref<1x128x128xf32, #tpu.memory_space<hbm>>
      %dma_wait3A_472 = tpu.memref_squeeze %dma_wait3A_471 : memref<1x128x128xf32, #tpu.memory_space<hbm>> -> memref<128x128xf32, #tpu.memory_space<hbm>>
      %dma_wait3A_473 = arith.constant 0 : i32
      %dma_wait3A_474 = tpu.memref_slice %arg4[%sub3A_469, %mul3A_2, %dma_wait3A_473] : memref<50x4096x128xf32, #tpu.memory_space<hbm>> -> memref<1x128x128xf32, #tpu.memory_space<hbm>>
      %dma_wait3A_475 = tpu.memref_squeeze %dma_wait3A_474 : memref<1x128x128xf32, #tpu.memory_space<hbm>> -> memref<128x128xf32, #tpu.memory_space<hbm>>
      tpu.wait_dma2 semaphore(%arg16 : memref<!tpu.dma_semaphore, #tpu.memory_space<semaphore_mem>>) src(%arg8 : memref<128x128xf32, #tpu.memory_space<vmem>>) dst(%dma_wait3A_475 : memref<128x128xf32, #tpu.memory_space<hbm>>)
      %add3A_476 = arith.constant 2 : i32
      %add3A_477 = arith.addi %add3A_443, %add3A_476 : i32
      %dma_start3A_478 = arith.constant 0 : i32
      %dma_start3A_479 = arith.constant 0 : i32
      %dma_start3A_480 = tpu.memref_slice %arg8[%dma_start3A_478, %dma_start3A_479] : memref<128x128xf32, #tpu.memory_space<vmem>> -> memref<64x128xf32, #tpu.memory_space<vmem>>
      %dma_start3A_481 = arith.constant 0 : i32
      %dma_start3A_482 = tpu.memref_slice %arg5[%add3A_477, %dma_start3A_481] : memref<50x128xi32, #tpu.memory_space<vmem>> -> memref<1x64xi32, #tpu.memory_space<vmem>>
      %dma_start3A_483 = tpu.memref_squeeze %dma_start3A_482 : memref<1x64xi32, #tpu.memory_space<vmem>> -> memref<64xi32, #tpu.memory_space<vmem>>
      %dma_start3A_484 = arith.constant 0 : i32
      %dma_start3A_485 = arith.constant 0 : i32
      %dma_start3A_486 = tpu.memref_slice %arg3[%dma_start3A_484, %dma_start3A_485] : memref<100000x128xf32, #tpu.memory_space<hbm>> -> memref<100000x128xf32, #tpu.memory_space<hbm>>
      tpu.enqueue_indirect_dma source(%dma_start3A_486 : memref<100000x128xf32, #tpu.memory_space<hbm>>) target(%dma_start3A_480 : memref<64x128xf32, #tpu.memory_space<vmem>>) offsets(%dma_start3A_483 : memref<64xi32, #tpu.memory_space<vmem>>) semaphore(%arg12 : memref<!tpu.dma_semaphore, #tpu.memory_space<semaphore_mem>>)
      %dma_start3A_487 = arith.constant 64 : i32
      %dma_start3A_488 = arith.constant 0 : i32
      %dma_start3A_489 = tpu.memref_slice %arg8[%dma_start3A_487, %dma_start3A_488] : memref<128x128xf32, #tpu.memory_space<vmem>> -> memref<64x128xf32, #tpu.memory_space<vmem>>
      %dma_start3A_490 = arith.constant 64 : i32
      %dma_start3A_491 = tpu.memref_slice %arg5[%add3A_477, %dma_start3A_490] : memref<50x128xi32, #tpu.memory_space<vmem>> -> memref<1x64xi32, #tpu.memory_space<vmem>>
      %dma_start3A_492 = tpu.memref_squeeze %dma_start3A_491 : memref<1x64xi32, #tpu.memory_space<vmem>> -> memref<64xi32, #tpu.memory_space<vmem>>
      %dma_start3A_493 = arith.constant 0 : i32
      %dma_start3A_494 = arith.constant 0 : i32
      %dma_start3A_495 = tpu.memref_slice %arg3[%dma_start3A_493, %dma_start3A_494] : memref<100000x128xf32, #tpu.memory_space<hbm>> -> memref<100000x128xf32, #tpu.memory_space<hbm>>
      tpu.enqueue_indirect_dma source(%dma_start3A_495 : memref<100000x128xf32, #tpu.memory_space<hbm>>) target(%dma_start3A_489 : memref<64x128xf32, #tpu.memory_space<vmem>>) offsets(%dma_start3A_492 : memref<64xi32, #tpu.memory_space<vmem>>) semaphore(%arg12 : memref<!tpu.dma_semaphore, #tpu.memory_space<semaphore_mem>>)
      %add3A_496 = arith.constant 3 : i32
      %add3A_497 = arith.addi %add3A_334, %add3A_496 : i32
      %dma_wait3A_498 = arith.constant 0 : i32
      %dma_wait3A_499 = arith.constant 0 : i32
      %dma_wait3A_500 = tpu.memref_slice %arg7[%dma_wait3A_498, %dma_wait3A_499] : memref<128x128xf32, #tpu.memory_space<vmem>> -> memref<64x128xf32, #tpu.memory_space<vmem>>
      %dma_wait3A_501 = arith.constant 0 : i32
      %dma_wait3A_502 = tpu.memref_slice %arg5[%add3A_497, %dma_wait3A_501] : memref<50x128xi32, #tpu.memory_space<vmem>> -> memref<1x64xi32, #tpu.memory_space<vmem>>
      %dma_wait3A_503 = tpu.memref_squeeze %dma_wait3A_502 : memref<1x64xi32, #tpu.memory_space<vmem>> -> memref<64xi32, #tpu.memory_space<vmem>>
      %dma_wait3A_504 = arith.constant 0 : i32
      %dma_wait3A_505 = arith.constant 0 : i32
      %dma_wait3A_506 = tpu.memref_slice %arg3[%dma_wait3A_504, %dma_wait3A_505] : memref<100000x128xf32, #tpu.memory_space<hbm>> -> memref<100000x128xf32, #tpu.memory_space<hbm>>
      tpu.wait_indirect_dma semaphore(%arg11 : memref<!tpu.dma_semaphore, #tpu.memory_space<semaphore_mem>>) src(%dma_wait3A_506 : memref<100000x128xf32, #tpu.memory_space<hbm>>) dst(%dma_wait3A_500 : memref<64x128xf32, #tpu.memory_space<vmem>>)
      %dma_wait3A_507 = arith.constant 64 : i32
      %dma_wait3A_508 = arith.constant 0 : i32
      %dma_wait3A_509 = tpu.memref_slice %arg7[%dma_wait3A_507, %dma_wait3A_508] : memref<128x128xf32, #tpu.memory_space<vmem>> -> memref<64x128xf32, #tpu.memory_space<vmem>>
      %dma_wait3A_510 = arith.constant 64 : i32
      %dma_wait3A_511 = tpu.memref_slice %arg5[%add3A_497, %dma_wait3A_510] : memref<50x128xi32, #tpu.memory_space<vmem>> -> memref<1x64xi32, #tpu.memory_space<vmem>>
      %dma_wait3A_512 = tpu.memref_squeeze %dma_wait3A_511 : memref<1x64xi32, #tpu.memory_space<vmem>> -> memref<64xi32, #tpu.memory_space<vmem>>
      %dma_wait3A_513 = arith.constant 0 : i32
      %dma_wait3A_514 = arith.constant 0 : i32
      %dma_wait3A_515 = tpu.memref_slice %arg3[%dma_wait3A_513, %dma_wait3A_514] : memref<100000x128xf32, #tpu.memory_space<hbm>> -> memref<100000x128xf32, #tpu.memory_space<hbm>>
      tpu.wait_indirect_dma semaphore(%arg11 : memref<!tpu.dma_semaphore, #tpu.memory_space<semaphore_mem>>) src(%dma_wait3A_515 : memref<100000x128xf32, #tpu.memory_space<hbm>>) dst(%dma_wait3A_509 : memref<64x128xf32, #tpu.memory_space<vmem>>)
      %dma_start3A_516 = arith.constant 0 : i32
      %dma_start3A_517 = tpu.memref_slice %arg4[%add3A_497, %mul3A_2, %dma_start3A_516] : memref<50x4096x128xf32, #tpu.memory_space<hbm>> -> memref<1x128x128xf32, #tpu.memory_space<hbm>>
      %dma_start3A_518 = tpu.memref_squeeze %dma_start3A_517 : memref<1x128x128xf32, #tpu.memory_space<hbm>> -> memref<128x128xf32, #tpu.memory_space<hbm>>
      %dma_start3A_519 = arith.constant 0 : i32
      %dma_start3A_520 = tpu.memref_slice %arg4[%add3A_497, %mul3A_2, %dma_start3A_519] : memref<50x4096x128xf32, #tpu.memory_space<hbm>> -> memref<1x128x128xf32, #tpu.memory_space<hbm>>
      %dma_start3A_521 = tpu.memref_squeeze %dma_start3A_520 : memref<1x128x128xf32, #tpu.memory_space<hbm>> -> memref<128x128xf32, #tpu.memory_space<hbm>>
      tpu.enqueue_dma source(%arg7 : memref<128x128xf32, #tpu.memory_space<vmem>>) target(%dma_start3A_521 : memref<128x128xf32, #tpu.memory_space<hbm>>) target_semaphore(%arg15 : memref<!tpu.dma_semaphore, #tpu.memory_space<semaphore_mem>>)
      %sub3A_522 = arith.constant 2 : i32
      %sub3A_523 = arith.subi %add3A_497, %sub3A_522 : i32
      %dma_wait3A_524 = arith.constant 0 : i32
      %dma_wait3A_525 = tpu.memref_slice %arg4[%sub3A_523, %mul3A_2, %dma_wait3A_524] : memref<50x4096x128xf32, #tpu.memory_space<hbm>> -> memref<1x128x128xf32, #tpu.memory_space<hbm>>
      %dma_wait3A_526 = tpu.memref_squeeze %dma_wait3A_525 : memref<1x128x128xf32, #tpu.memory_space<hbm>> -> memref<128x128xf32, #tpu.memory_space<hbm>>
      %dma_wait3A_527 = arith.constant 0 : i32
      %dma_wait3A_528 = tpu.memref_slice %arg4[%sub3A_523, %mul3A_2, %dma_wait3A_527] : memref<50x4096x128xf32, #tpu.memory_space<hbm>> -> memref<1x128x128xf32, #tpu.memory_space<hbm>>
      %dma_wait3A_529 = tpu.memref_squeeze %dma_wait3A_528 : memref<1x128x128xf32, #tpu.memory_space<hbm>> -> memref<128x128xf32, #tpu.memory_space<hbm>>
      tpu.wait_dma2 semaphore(%arg17 : memref<!tpu.dma_semaphore, #tpu.memory_space<semaphore_mem>>) src(%arg9 : memref<128x128xf32, #tpu.memory_space<vmem>>) dst(%dma_wait3A_529 : memref<128x128xf32, #tpu.memory_space<hbm>>)
      %add3A_530 = arith.constant 2 : i32
      %add3A_531 = arith.addi %add3A_497, %add3A_530 : i32
      %dma_start3A_532 = arith.constant 0 : i32
      %dma_start3A_533 = arith.constant 0 : i32
      %dma_start3A_534 = tpu.memref_slice %arg9[%dma_start3A_532, %dma_start3A_533] : memref<128x128xf32, #tpu.memory_space<vmem>> -> memref<64x128xf32, #tpu.memory_space<vmem>>
      %dma_start3A_535 = arith.constant 0 : i32
      %dma_start3A_536 = tpu.memref_slice %arg5[%add3A_531, %dma_start3A_535] : memref<50x128xi32, #tpu.memory_space<vmem>> -> memref<1x64xi32, #tpu.memory_space<vmem>>
      %dma_start3A_537 = tpu.memref_squeeze %dma_start3A_536 : memref<1x64xi32, #tpu.memory_space<vmem>> -> memref<64xi32, #tpu.memory_space<vmem>>
      %dma_start3A_538 = arith.constant 0 : i32
      %dma_start3A_539 = arith.constant 0 : i32
      %dma_start3A_540 = tpu.memref_slice %arg3[%dma_start3A_538, %dma_start3A_539] : memref<100000x128xf32, #tpu.memory_space<hbm>> -> memref<100000x128xf32, #tpu.memory_space<hbm>>
      tpu.enqueue_indirect_dma source(%dma_start3A_540 : memref<100000x128xf32, #tpu.memory_space<hbm>>) target(%dma_start3A_534 : memref<64x128xf32, #tpu.memory_space<vmem>>) offsets(%dma_start3A_537 : memref<64xi32, #tpu.memory_space<vmem>>) semaphore(%arg13 : memref<!tpu.dma_semaphore, #tpu.memory_space<semaphore_mem>>)
      %dma_start3A_541 = arith.constant 64 : i32
      %dma_start3A_542 = arith.constant 0 : i32
      %dma_start3A_543 = tpu.memref_slice %arg9[%dma_start3A_541, %dma_start3A_542] : memref<128x128xf32, #tpu.memory_space<vmem>> -> memref<64x128xf32, #tpu.memory_space<vmem>>
      %dma_start3A_544 = arith.constant 64 : i32
      %dma_start3A_545 = tpu.memref_slice %arg5[%add3A_531, %dma_start3A_544] : memref<50x128xi32, #tpu.memory_space<vmem>> -> memref<1x64xi32, #tpu.memory_space<vmem>>
      %dma_start3A_546 = tpu.memref_squeeze %dma_start3A_545 : memref<1x64xi32, #tpu.memory_space<vmem>> -> memref<64xi32, #tpu.memory_space<vmem>>
      %dma_start3A_547 = arith.constant 0 : i32
      %dma_start3A_548 = arith.constant 0 : i32
      %dma_start3A_549 = tpu.memref_slice %arg3[%dma_start3A_547, %dma_start3A_548] : memref<100000x128xf32, #tpu.memory_space<hbm>> -> memref<100000x128xf32, #tpu.memory_space<hbm>>
      tpu.enqueue_indirect_dma source(%dma_start3A_549 : memref<100000x128xf32, #tpu.memory_space<hbm>>) target(%dma_start3A_543 : memref<64x128xf32, #tpu.memory_space<vmem>>) offsets(%dma_start3A_546 : memref<64xi32, #tpu.memory_space<vmem>>) semaphore(%arg13 : memref<!tpu.dma_semaphore, #tpu.memory_space<semaphore_mem>>)
    }
    %scan3A_139 = arith.constant 11 : i32
    %dma_wait3A_140 = arith.constant 46 : i32
    %dma_wait3A_141 = arith.constant 0 : i32
    %dma_wait3A_142 = arith.constant 0 : i32
    %dma_wait3A_143 = tpu.memref_slice %arg8[%dma_wait3A_141, %dma_wait3A_142] : memref<128x128xf32, #tpu.memory_space<vmem>> -> memref<64x128xf32, #tpu.memory_space<vmem>>
    %dma_wait3A_144 = arith.constant 0 : i32
    %dma_wait3A_145 = tpu.memref_slice %arg5[%dma_wait3A_140, %dma_wait3A_144] : memref<50x128xi32, #tpu.memory_space<vmem>> -> memref<1x64xi32, #tpu.memory_space<vmem>>
    %dma_wait3A_146 = tpu.memref_squeeze %dma_wait3A_145 : memref<1x64xi32, #tpu.memory_space<vmem>> -> memref<64xi32, #tpu.memory_space<vmem>>
    %dma_wait3A_147 = arith.constant 0 : i32
    %dma_wait3A_148 = arith.constant 0 : i32
    %dma_wait3A_149 = tpu.memref_slice %arg3[%dma_wait3A_147, %dma_wait3A_148] : memref<100000x128xf32, #tpu.memory_space<hbm>> -> memref<100000x128xf32, #tpu.memory_space<hbm>>
    tpu.wait_indirect_dma semaphore(%arg12 : memref<!tpu.dma_semaphore, #tpu.memory_space<semaphore_mem>>) src(%dma_wait3A_149 : memref<100000x128xf32, #tpu.memory_space<hbm>>) dst(%dma_wait3A_143 : memref<64x128xf32, #tpu.memory_space<vmem>>)
    %dma_wait3A_150 = arith.constant 46 : i32
    %dma_wait3A_151 = arith.constant 64 : i32
    %dma_wait3A_152 = arith.constant 0 : i32
    %dma_wait3A_153 = tpu.memref_slice %arg8[%dma_wait3A_151, %dma_wait3A_152] : memref<128x128xf32, #tpu.memory_space<vmem>> -> memref<64x128xf32, #tpu.memory_space<vmem>>
    %dma_wait3A_154 = arith.constant 64 : i32
    %dma_wait3A_155 = tpu.memref_slice %arg5[%dma_wait3A_150, %dma_wait3A_154] : memref<50x128xi32, #tpu.memory_space<vmem>> -> memref<1x64xi32, #tpu.memory_space<vmem>>
    %dma_wait3A_156 = tpu.memref_squeeze %dma_wait3A_155 : memref<1x64xi32, #tpu.memory_space<vmem>> -> memref<64xi32, #tpu.memory_space<vmem>>
    %dma_wait3A_157 = arith.constant 0 : i32
    %dma_wait3A_158 = arith.constant 0 : i32
    %dma_wait3A_159 = tpu.memref_slice %arg3[%dma_wait3A_157, %dma_wait3A_158] : memref<100000x128xf32, #tpu.memory_space<hbm>> -> memref<100000x128xf32, #tpu.memory_space<hbm>>
    tpu.wait_indirect_dma semaphore(%arg12 : memref<!tpu.dma_semaphore, #tpu.memory_space<semaphore_mem>>) src(%dma_wait3A_159 : memref<100000x128xf32, #tpu.memory_space<hbm>>) dst(%dma_wait3A_153 : memref<64x128xf32, #tpu.memory_space<vmem>>)
    %dma_start3A_160 = arith.constant 46 : i32
    %dma_start3A_161 = arith.constant 0 : i32
    %dma_start3A_162 = tpu.memref_slice %arg4[%dma_start3A_160, %mul3A_2, %dma_start3A_161] : memref<50x4096x128xf32, #tpu.memory_space<hbm>> -> memref<1x128x128xf32, #tpu.memory_space<hbm>>
    %dma_start3A_163 = tpu.memref_squeeze %dma_start3A_162 : memref<1x128x128xf32, #tpu.memory_space<hbm>> -> memref<128x128xf32, #tpu.memory_space<hbm>>
    %dma_start3A_164 = arith.constant 0 : i32
    %dma_start3A_165 = tpu.memref_slice %arg4[%dma_start3A_160, %mul3A_2, %dma_start3A_164] : memref<50x4096x128xf32, #tpu.memory_space<hbm>> -> memref<1x128x128xf32, #tpu.memory_space<hbm>>
    %dma_start3A_166 = tpu.memref_squeeze %dma_start3A_165 : memref<1x128x128xf32, #tpu.memory_space<hbm>> -> memref<128x128xf32, #tpu.memory_space<hbm>>
    tpu.enqueue_dma source(%arg8 : memref<128x128xf32, #tpu.memory_space<vmem>>) target(%dma_start3A_166 : memref<128x128xf32, #tpu.memory_space<hbm>>) target_semaphore(%arg16 : memref<!tpu.dma_semaphore, #tpu.memory_space<semaphore_mem>>)
    %dma_wait3A_167 = arith.constant 44 : i32
    %dma_wait3A_168 = arith.constant 0 : i32
    %dma_wait3A_169 = tpu.memref_slice %arg4[%dma_wait3A_167, %mul3A_2, %dma_wait3A_168] : memref<50x4096x128xf32, #tpu.memory_space<hbm>> -> memref<1x128x128xf32, #tpu.memory_space<hbm>>
    %dma_wait3A_170 = tpu.memref_squeeze %dma_wait3A_169 : memref<1x128x128xf32, #tpu.memory_space<hbm>> -> memref<128x128xf32, #tpu.memory_space<hbm>>
    %dma_wait3A_171 = arith.constant 0 : i32
    %dma_wait3A_172 = tpu.memref_slice %arg4[%dma_wait3A_167, %mul3A_2, %dma_wait3A_171] : memref<50x4096x128xf32, #tpu.memory_space<hbm>> -> memref<1x128x128xf32, #tpu.memory_space<hbm>>
    %dma_wait3A_173 = tpu.memref_squeeze %dma_wait3A_172 : memref<1x128x128xf32, #tpu.memory_space<hbm>> -> memref<128x128xf32, #tpu.memory_space<hbm>>
    tpu.wait_dma2 semaphore(%arg14 : memref<!tpu.dma_semaphore, #tpu.memory_space<semaphore_mem>>) src(%arg6 : memref<128x128xf32, #tpu.memory_space<vmem>>) dst(%dma_wait3A_173 : memref<128x128xf32, #tpu.memory_space<hbm>>)
    %dma_start3A_174 = arith.constant 48 : i32
    %dma_start3A_175 = arith.constant 0 : i32
    %dma_start3A_176 = arith.constant 0 : i32
    %dma_start3A_177 = tpu.memref_slice %arg6[%dma_start3A_175, %dma_start3A_176] : memref<128x128xf32, #tpu.memory_space<vmem>> -> memref<64x128xf32, #tpu.memory_space<vmem>>
    %dma_start3A_178 = arith.constant 0 : i32
    %dma_start3A_179 = tpu.memref_slice %arg5[%dma_start3A_174, %dma_start3A_178] : memref<50x128xi32, #tpu.memory_space<vmem>> -> memref<1x64xi32, #tpu.memory_space<vmem>>
    %dma_start3A_180 = tpu.memref_squeeze %dma_start3A_179 : memref<1x64xi32, #tpu.memory_space<vmem>> -> memref<64xi32, #tpu.memory_space<vmem>>
    %dma_start3A_181 = arith.constant 0 : i32
    %dma_start3A_182 = arith.constant 0 : i32
    %dma_start3A_183 = tpu.memref_slice %arg3[%dma_start3A_181, %dma_start3A_182] : memref<100000x128xf32, #tpu.memory_space<hbm>> -> memref<100000x128xf32, #tpu.memory_space<hbm>>
    tpu.enqueue_indirect_dma source(%dma_start3A_183 : memref<100000x128xf32, #tpu.memory_space<hbm>>) target(%dma_start3A_177 : memref<64x128xf32, #tpu.memory_space<vmem>>) offsets(%dma_start3A_180 : memref<64xi32, #tpu.memory_space<vmem>>) semaphore(%arg10 : memref<!tpu.dma_semaphore, #tpu.memory_space<semaphore_mem>>)
    %dma_start3A_184 = arith.constant 48 : i32
    %dma_start3A_185 = arith.constant 64 : i32
    %dma_start3A_186 = arith.constant 0 : i32
    %dma_start3A_187 = tpu.memref_slice %arg6[%dma_start3A_185, %dma_start3A_186] : memref<128x128xf32, #tpu.memory_space<vmem>> -> memref<64x128xf32, #tpu.memory_space<vmem>>
    %dma_start3A_188 = arith.constant 64 : i32
    %dma_start3A_189 = tpu.memref_slice %arg5[%dma_start3A_184, %dma_start3A_188] : memref<50x128xi32, #tpu.memory_space<vmem>> -> memref<1x64xi32, #tpu.memory_space<vmem>>
    %dma_start3A_190 = tpu.memref_squeeze %dma_start3A_189 : memref<1x64xi32, #tpu.memory_space<vmem>> -> memref<64xi32, #tpu.memory_space<vmem>>
    %dma_start3A_191 = arith.constant 0 : i32
    %dma_start3A_192 = arith.constant 0 : i32
    %dma_start3A_193 = tpu.memref_slice %arg3[%dma_start3A_191, %dma_start3A_192] : memref<100000x128xf32, #tpu.memory_space<hbm>> -> memref<100000x128xf32, #tpu.memory_space<hbm>>
    tpu.enqueue_indirect_dma source(%dma_start3A_193 : memref<100000x128xf32, #tpu.memory_space<hbm>>) target(%dma_start3A_187 : memref<64x128xf32, #tpu.memory_space<vmem>>) offsets(%dma_start3A_190 : memref<64xi32, #tpu.memory_space<vmem>>) semaphore(%arg10 : memref<!tpu.dma_semaphore, #tpu.memory_space<semaphore_mem>>)
    %dma_wait3A_194 = arith.constant 47 : i32
    %dma_wait3A_195 = arith.constant 0 : i32
    %dma_wait3A_196 = arith.constant 0 : i32
    %dma_wait3A_197 = tpu.memref_slice %arg9[%dma_wait3A_195, %dma_wait3A_196] : memref<128x128xf32, #tpu.memory_space<vmem>> -> memref<64x128xf32, #tpu.memory_space<vmem>>
    %dma_wait3A_198 = arith.constant 0 : i32
    %dma_wait3A_199 = tpu.memref_slice %arg5[%dma_wait3A_194, %dma_wait3A_198] : memref<50x128xi32, #tpu.memory_space<vmem>> -> memref<1x64xi32, #tpu.memory_space<vmem>>
    %dma_wait3A_200 = tpu.memref_squeeze %dma_wait3A_199 : memref<1x64xi32, #tpu.memory_space<vmem>> -> memref<64xi32, #tpu.memory_space<vmem>>
    %dma_wait3A_201 = arith.constant 0 : i32
    %dma_wait3A_202 = arith.constant 0 : i32
    %dma_wait3A_203 = tpu.memref_slice %arg3[%dma_wait3A_201, %dma_wait3A_202] : memref<100000x128xf32, #tpu.memory_space<hbm>> -> memref<100000x128xf32, #tpu.memory_space<hbm>>
    tpu.wait_indirect_dma semaphore(%arg13 : memref<!tpu.dma_semaphore, #tpu.memory_space<semaphore_mem>>) src(%dma_wait3A_203 : memref<100000x128xf32, #tpu.memory_space<hbm>>) dst(%dma_wait3A_197 : memref<64x128xf32, #tpu.memory_space<vmem>>)
    %dma_wait3A_204 = arith.constant 47 : i32
    %dma_wait3A_205 = arith.constant 64 : i32
    %dma_wait3A_206 = arith.constant 0 : i32
    %dma_wait3A_207 = tpu.memref_slice %arg9[%dma_wait3A_205, %dma_wait3A_206] : memref<128x128xf32, #tpu.memory_space<vmem>> -> memref<64x128xf32, #tpu.memory_space<vmem>>
    %dma_wait3A_208 = arith.constant 64 : i32
    %dma_wait3A_209 = tpu.memref_slice %arg5[%dma_wait3A_204, %dma_wait3A_208] : memref<50x128xi32, #tpu.memory_space<vmem>> -> memref<1x64xi32, #tpu.memory_space<vmem>>
    %dma_wait3A_210 = tpu.memref_squeeze %dma_wait3A_209 : memref<1x64xi32, #tpu.memory_space<vmem>> -> memref<64xi32, #tpu.memory_space<vmem>>
    %dma_wait3A_211 = arith.constant 0 : i32
    %dma_wait3A_212 = arith.constant 0 : i32
    %dma_wait3A_213 = tpu.memref_slice %arg3[%dma_wait3A_211, %dma_wait3A_212] : memref<100000x128xf32, #tpu.memory_space<hbm>> -> memref<100000x128xf32, #tpu.memory_space<hbm>>
    tpu.wait_indirect_dma semaphore(%arg13 : memref<!tpu.dma_semaphore, #tpu.memory_space<semaphore_mem>>) src(%dma_wait3A_213 : memref<100000x128xf32, #tpu.memory_space<hbm>>) dst(%dma_wait3A_207 : memref<64x128xf32, #tpu.memory_space<vmem>>)
    %dma_start3A_214 = arith.constant 47 : i32
    %dma_start3A_215 = arith.constant 0 : i32
    %dma_start3A_216 = tpu.memref_slice %arg4[%dma_start3A_214, %mul3A_2, %dma_start3A_215] : memref<50x4096x128xf32, #tpu.memory_space<hbm>> -> memref<1x128x128xf32, #tpu.memory_space<hbm>>
    %dma_start3A_217 = tpu.memref_squeeze %dma_start3A_216 : memref<1x128x128xf32, #tpu.memory_space<hbm>> -> memref<128x128xf32, #tpu.memory_space<hbm>>
    %dma_start3A_218 = arith.constant 0 : i32
    %dma_start3A_219 = tpu.memref_slice %arg4[%dma_start3A_214, %mul3A_2, %dma_start3A_218] : memref<50x4096x128xf32, #tpu.memory_space<hbm>> -> memref<1x128x128xf32, #tpu.memory_space<hbm>>
    %dma_start3A_220 = tpu.memref_squeeze %dma_start3A_219 : memref<1x128x128xf32, #tpu.memory_space<hbm>> -> memref<128x128xf32, #tpu.memory_space<hbm>>
    tpu.enqueue_dma source(%arg9 : memref<128x128xf32, #tpu.memory_space<vmem>>) target(%dma_start3A_220 : memref<128x128xf32, #tpu.memory_space<hbm>>) target_semaphore(%arg17 : memref<!tpu.dma_semaphore, #tpu.memory_space<semaphore_mem>>)
    %dma_wait3A_221 = arith.constant 45 : i32
    %dma_wait3A_222 = arith.constant 0 : i32
    %dma_wait3A_223 = tpu.memref_slice %arg4[%dma_wait3A_221, %mul3A_2, %dma_wait3A_222] : memref<50x4096x128xf32, #tpu.memory_space<hbm>> -> memref<1x128x128xf32, #tpu.memory_space<hbm>>
    %dma_wait3A_224 = tpu.memref_squeeze %dma_wait3A_223 : memref<1x128x128xf32, #tpu.memory_space<hbm>> -> memref<128x128xf32, #tpu.memory_space<hbm>>
    %dma_wait3A_225 = arith.constant 0 : i32
    %dma_wait3A_226 = tpu.memref_slice %arg4[%dma_wait3A_221, %mul3A_2, %dma_wait3A_225] : memref<50x4096x128xf32, #tpu.memory_space<hbm>> -> memref<1x128x128xf32, #tpu.memory_space<hbm>>
    %dma_wait3A_227 = tpu.memref_squeeze %dma_wait3A_226 : memref<1x128x128xf32, #tpu.memory_space<hbm>> -> memref<128x128xf32, #tpu.memory_space<hbm>>
    tpu.wait_dma2 semaphore(%arg15 : memref<!tpu.dma_semaphore, #tpu.memory_space<semaphore_mem>>) src(%arg7 : memref<128x128xf32, #tpu.memory_space<vmem>>) dst(%dma_wait3A_227 : memref<128x128xf32, #tpu.memory_space<hbm>>)
    %dma_start3A_228 = arith.constant 49 : i32
    %dma_start3A_229 = arith.constant 0 : i32
    %dma_start3A_230 = arith.constant 0 : i32
    %dma_start3A_231 = tpu.memref_slice %arg7[%dma_start3A_229, %dma_start3A_230] : memref<128x128xf32, #tpu.memory_space<vmem>> -> memref<64x128xf32, #tpu.memory_space<vmem>>
    %dma_start3A_232 = arith.constant 0 : i32
    %dma_start3A_233 = tpu.memref_slice %arg5[%dma_start3A_228, %dma_start3A_232] : memref<50x128xi32, #tpu.memory_space<vmem>> -> memref<1x64xi32, #tpu.memory_space<vmem>>
    %dma_start3A_234 = tpu.memref_squeeze %dma_start3A_233 : memref<1x64xi32, #tpu.memory_space<vmem>> -> memref<64xi32, #tpu.memory_space<vmem>>
    %dma_start3A_235 = arith.constant 0 : i32
    %dma_start3A_236 = arith.constant 0 : i32
    %dma_start3A_237 = tpu.memref_slice %arg3[%dma_start3A_235, %dma_start3A_236] : memref<100000x128xf32, #tpu.memory_space<hbm>> -> memref<100000x128xf32, #tpu.memory_space<hbm>>
    tpu.enqueue_indirect_dma source(%dma_start3A_237 : memref<100000x128xf32, #tpu.memory_space<hbm>>) target(%dma_start3A_231 : memref<64x128xf32, #tpu.memory_space<vmem>>) offsets(%dma_start3A_234 : memref<64xi32, #tpu.memory_space<vmem>>) semaphore(%arg11 : memref<!tpu.dma_semaphore, #tpu.memory_space<semaphore_mem>>)
    %dma_start3A_238 = arith.constant 49 : i32
    %dma_start3A_239 = arith.constant 64 : i32
    %dma_start3A_240 = arith.constant 0 : i32
    %dma_start3A_241 = tpu.memref_slice %arg7[%dma_start3A_239, %dma_start3A_240] : memref<128x128xf32, #tpu.memory_space<vmem>> -> memref<64x128xf32, #tpu.memory_space<vmem>>
    %dma_start3A_242 = arith.constant 64 : i32
    %dma_start3A_243 = tpu.memref_slice %arg5[%dma_start3A_238, %dma_start3A_242] : memref<50x128xi32, #tpu.memory_space<vmem>> -> memref<1x64xi32, #tpu.memory_space<vmem>>
    %dma_start3A_244 = tpu.memref_squeeze %dma_start3A_243 : memref<1x64xi32, #tpu.memory_space<vmem>> -> memref<64xi32, #tpu.memory_space<vmem>>
    %dma_start3A_245 = arith.constant 0 : i32
    %dma_start3A_246 = arith.constant 0 : i32
    %dma_start3A_247 = tpu.memref_slice %arg3[%dma_start3A_245, %dma_start3A_246] : memref<100000x128xf32, #tpu.memory_space<hbm>> -> memref<100000x128xf32, #tpu.memory_space<hbm>>
    tpu.enqueue_indirect_dma source(%dma_start3A_247 : memref<100000x128xf32, #tpu.memory_space<hbm>>) target(%dma_start3A_241 : memref<64x128xf32, #tpu.memory_space<vmem>>) offsets(%dma_start3A_244 : memref<64xi32, #tpu.memory_space<vmem>>) semaphore(%arg11 : memref<!tpu.dma_semaphore, #tpu.memory_space<semaphore_mem>>)
    %dma_wait3A_248 = arith.constant 48 : i32
    %dma_wait3A_249 = arith.constant 0 : i32
    %dma_wait3A_250 = arith.constant 0 : i32
    %dma_wait3A_251 = tpu.memref_slice %arg6[%dma_wait3A_249, %dma_wait3A_250] : memref<128x128xf32, #tpu.memory_space<vmem>> -> memref<64x128xf32, #tpu.memory_space<vmem>>
    %dma_wait3A_252 = arith.constant 0 : i32
    %dma_wait3A_253 = tpu.memref_slice %arg5[%dma_wait3A_248, %dma_wait3A_252] : memref<50x128xi32, #tpu.memory_space<vmem>> -> memref<1x64xi32, #tpu.memory_space<vmem>>
    %dma_wait3A_254 = tpu.memref_squeeze %dma_wait3A_253 : memref<1x64xi32, #tpu.memory_space<vmem>> -> memref<64xi32, #tpu.memory_space<vmem>>
    %dma_wait3A_255 = arith.constant 0 : i32
    %dma_wait3A_256 = arith.constant 0 : i32
    %dma_wait3A_257 = tpu.memref_slice %arg3[%dma_wait3A_255, %dma_wait3A_256] : memref<100000x128xf32, #tpu.memory_space<hbm>> -> memref<100000x128xf32, #tpu.memory_space<hbm>>
    tpu.wait_indirect_dma semaphore(%arg10 : memref<!tpu.dma_semaphore, #tpu.memory_space<semaphore_mem>>) src(%dma_wait3A_257 : memref<100000x128xf32, #tpu.memory_space<hbm>>) dst(%dma_wait3A_251 : memref<64x128xf32, #tpu.memory_space<vmem>>)
    %dma_wait3A_258 = arith.constant 48 : i32
    %dma_wait3A_259 = arith.constant 64 : i32
    %dma_wait3A_260 = arith.constant 0 : i32
    %dma_wait3A_261 = tpu.memref_slice %arg6[%dma_wait3A_259, %dma_wait3A_260] : memref<128x128xf32, #tpu.memory_space<vmem>> -> memref<64x128xf32, #tpu.memory_space<vmem>>
    %dma_wait3A_262 = arith.constant 64 : i32
    %dma_wait3A_263 = tpu.memref_slice %arg5[%dma_wait3A_258, %dma_wait3A_262] : memref<50x128xi32, #tpu.memory_space<vmem>> -> memref<1x64xi32, #tpu.memory_space<vmem>>
    %dma_wait3A_264 = tpu.memref_squeeze %dma_wait3A_263 : memref<1x64xi32, #tpu.memory_space<vmem>> -> memref<64xi32, #tpu.memory_space<vmem>>
    %dma_wait3A_265 = arith.constant 0 : i32
    %dma_wait3A_266 = arith.constant 0 : i32
    %dma_wait3A_267 = tpu.memref_slice %arg3[%dma_wait3A_265, %dma_wait3A_266] : memref<100000x128xf32, #tpu.memory_space<hbm>> -> memref<100000x128xf32, #tpu.memory_space<hbm>>
    tpu.wait_indirect_dma semaphore(%arg10 : memref<!tpu.dma_semaphore, #tpu.memory_space<semaphore_mem>>) src(%dma_wait3A_267 : memref<100000x128xf32, #tpu.memory_space<hbm>>) dst(%dma_wait3A_261 : memref<64x128xf32, #tpu.memory_space<vmem>>)
    %dma_start3A_268 = arith.constant 48 : i32
    %dma_start3A_269 = arith.constant 0 : i32
    %dma_start3A_270 = tpu.memref_slice %arg4[%dma_start3A_268, %mul3A_2, %dma_start3A_269] : memref<50x4096x128xf32, #tpu.memory_space<hbm>> -> memref<1x128x128xf32, #tpu.memory_space<hbm>>
    %dma_start3A_271 = tpu.memref_squeeze %dma_start3A_270 : memref<1x128x128xf32, #tpu.memory_space<hbm>> -> memref<128x128xf32, #tpu.memory_space<hbm>>
    %dma_start3A_272 = arith.constant 0 : i32
    %dma_start3A_273 = tpu.memref_slice %arg4[%dma_start3A_268, %mul3A_2, %dma_start3A_272] : memref<50x4096x128xf32, #tpu.memory_space<hbm>> -> memref<1x128x128xf32, #tpu.memory_space<hbm>>
    %dma_start3A_274 = tpu.memref_squeeze %dma_start3A_273 : memref<1x128x128xf32, #tpu.memory_space<hbm>> -> memref<128x128xf32, #tpu.memory_space<hbm>>
    tpu.enqueue_dma source(%arg6 : memref<128x128xf32, #tpu.memory_space<vmem>>) target(%dma_start3A_274 : memref<128x128xf32, #tpu.memory_space<hbm>>) target_semaphore(%arg14 : memref<!tpu.dma_semaphore, #tpu.memory_space<semaphore_mem>>)
    %dma_wait3A_275 = arith.constant 49 : i32
    %dma_wait3A_276 = arith.constant 0 : i32
    %dma_wait3A_277 = arith.constant 0 : i32
    %dma_wait3A_278 = tpu.memref_slice %arg7[%dma_wait3A_276, %dma_wait3A_277] : memref<128x128xf32, #tpu.memory_space<vmem>> -> memref<64x128xf32, #tpu.memory_space<vmem>>
    %dma_wait3A_279 = arith.constant 0 : i32
    %dma_wait3A_280 = tpu.memref_slice %arg5[%dma_wait3A_275, %dma_wait3A_279] : memref<50x128xi32, #tpu.memory_space<vmem>> -> memref<1x64xi32, #tpu.memory_space<vmem>>
    %dma_wait3A_281 = tpu.memref_squeeze %dma_wait3A_280 : memref<1x64xi32, #tpu.memory_space<vmem>> -> memref<64xi32, #tpu.memory_space<vmem>>
    %dma_wait3A_282 = arith.constant 0 : i32
    %dma_wait3A_283 = arith.constant 0 : i32
    %dma_wait3A_284 = tpu.memref_slice %arg3[%dma_wait3A_282, %dma_wait3A_283] : memref<100000x128xf32, #tpu.memory_space<hbm>> -> memref<100000x128xf32, #tpu.memory_space<hbm>>
    tpu.wait_indirect_dma semaphore(%arg11 : memref<!tpu.dma_semaphore, #tpu.memory_space<semaphore_mem>>) src(%dma_wait3A_284 : memref<100000x128xf32, #tpu.memory_space<hbm>>) dst(%dma_wait3A_278 : memref<64x128xf32, #tpu.memory_space<vmem>>)
    %dma_wait3A_285 = arith.constant 49 : i32
    %dma_wait3A_286 = arith.constant 64 : i32
    %dma_wait3A_287 = arith.constant 0 : i32
    %dma_wait3A_288 = tpu.memref_slice %arg7[%dma_wait3A_286, %dma_wait3A_287] : memref<128x128xf32, #tpu.memory_space<vmem>> -> memref<64x128xf32, #tpu.memory_space<vmem>>
    %dma_wait3A_289 = arith.constant 64 : i32
    %dma_wait3A_290 = tpu.memref_slice %arg5[%dma_wait3A_285, %dma_wait3A_289] : memref<50x128xi32, #tpu.memory_space<vmem>> -> memref<1x64xi32, #tpu.memory_space<vmem>>
    %dma_wait3A_291 = tpu.memref_squeeze %dma_wait3A_290 : memref<1x64xi32, #tpu.memory_space<vmem>> -> memref<64xi32, #tpu.memory_space<vmem>>
    %dma_wait3A_292 = arith.constant 0 : i32
    %dma_wait3A_293 = arith.constant 0 : i32
    %dma_wait3A_294 = tpu.memref_slice %arg3[%dma_wait3A_292, %dma_wait3A_293] : memref<100000x128xf32, #tpu.memory_space<hbm>> -> memref<100000x128xf32, #tpu.memory_space<hbm>>
    tpu.wait_indirect_dma semaphore(%arg11 : memref<!tpu.dma_semaphore, #tpu.memory_space<semaphore_mem>>) src(%dma_wait3A_294 : memref<100000x128xf32, #tpu.memory_space<hbm>>) dst(%dma_wait3A_288 : memref<64x128xf32, #tpu.memory_space<vmem>>)
    %dma_start3A_295 = arith.constant 49 : i32
    %dma_start3A_296 = arith.constant 0 : i32
    %dma_start3A_297 = tpu.memref_slice %arg4[%dma_start3A_295, %mul3A_2, %dma_start3A_296] : memref<50x4096x128xf32, #tpu.memory_space<hbm>> -> memref<1x128x128xf32, #tpu.memory_space<hbm>>
    %dma_start3A_298 = tpu.memref_squeeze %dma_start3A_297 : memref<1x128x128xf32, #tpu.memory_space<hbm>> -> memref<128x128xf32, #tpu.memory_space<hbm>>
    %dma_start3A_299 = arith.constant 0 : i32
    %dma_start3A_300 = tpu.memref_slice %arg4[%dma_start3A_295, %mul3A_2, %dma_start3A_299] : memref<50x4096x128xf32, #tpu.memory_space<hbm>> -> memref<1x128x128xf32, #tpu.memory_space<hbm>>
    %dma_start3A_301 = tpu.memref_squeeze %dma_start3A_300 : memref<1x128x128xf32, #tpu.memory_space<hbm>> -> memref<128x128xf32, #tpu.memory_space<hbm>>
    tpu.enqueue_dma source(%arg7 : memref<128x128xf32, #tpu.memory_space<vmem>>) target(%dma_start3A_301 : memref<128x128xf32, #tpu.memory_space<hbm>>) target_semaphore(%arg15 : memref<!tpu.dma_semaphore, #tpu.memory_space<semaphore_mem>>)
    %dma_wait3A_302 = arith.constant 46 : i32
    %dma_wait3A_303 = arith.constant 0 : i32
    %dma_wait3A_304 = tpu.memref_slice %arg4[%dma_wait3A_302, %mul3A_2, %dma_wait3A_303] : memref<50x4096x128xf32, #tpu.memory_space<hbm>> -> memref<1x128x128xf32, #tpu.memory_space<hbm>>
    %dma_wait3A_305 = tpu.memref_squeeze %dma_wait3A_304 : memref<1x128x128xf32, #tpu.memory_space<hbm>> -> memref<128x128xf32, #tpu.memory_space<hbm>>
    %dma_wait3A_306 = arith.constant 0 : i32
    %dma_wait3A_307 = tpu.memref_slice %arg4[%dma_wait3A_302, %mul3A_2, %dma_wait3A_306] : memref<50x4096x128xf32, #tpu.memory_space<hbm>> -> memref<1x128x128xf32, #tpu.memory_space<hbm>>
    %dma_wait3A_308 = tpu.memref_squeeze %dma_wait3A_307 : memref<1x128x128xf32, #tpu.memory_space<hbm>> -> memref<128x128xf32, #tpu.memory_space<hbm>>
    tpu.wait_dma2 semaphore(%arg16 : memref<!tpu.dma_semaphore, #tpu.memory_space<semaphore_mem>>) src(%arg8 : memref<128x128xf32, #tpu.memory_space<vmem>>) dst(%dma_wait3A_308 : memref<128x128xf32, #tpu.memory_space<hbm>>)
    %dma_wait3A_309 = arith.constant 47 : i32
    %dma_wait3A_310 = arith.constant 0 : i32
    %dma_wait3A_311 = tpu.memref_slice %arg4[%dma_wait3A_309, %mul3A_2, %dma_wait3A_310] : memref<50x4096x128xf32, #tpu.memory_space<hbm>> -> memref<1x128x128xf32, #tpu.memory_space<hbm>>
    %dma_wait3A_312 = tpu.memref_squeeze %dma_wait3A_311 : memref<1x128x128xf32, #tpu.memory_space<hbm>> -> memref<128x128xf32, #tpu.memory_space<hbm>>
    %dma_wait3A_313 = arith.constant 0 : i32
    %dma_wait3A_314 = tpu.memref_slice %arg4[%dma_wait3A_309, %mul3A_2, %dma_wait3A_313] : memref<50x4096x128xf32, #tpu.memory_space<hbm>> -> memref<1x128x128xf32, #tpu.memory_space<hbm>>
    %dma_wait3A_315 = tpu.memref_squeeze %dma_wait3A_314 : memref<1x128x128xf32, #tpu.memory_space<hbm>> -> memref<128x128xf32, #tpu.memory_space<hbm>>
    tpu.wait_dma2 semaphore(%arg17 : memref<!tpu.dma_semaphore, #tpu.memory_space<semaphore_mem>>) src(%arg9 : memref<128x128xf32, #tpu.memory_space<vmem>>) dst(%dma_wait3A_315 : memref<128x128xf32, #tpu.memory_space<hbm>>)
    %dma_wait3A_316 = arith.constant 48 : i32
    %dma_wait3A_317 = arith.constant 0 : i32
    %dma_wait3A_318 = tpu.memref_slice %arg4[%dma_wait3A_316, %mul3A_2, %dma_wait3A_317] : memref<50x4096x128xf32, #tpu.memory_space<hbm>> -> memref<1x128x128xf32, #tpu.memory_space<hbm>>
    %dma_wait3A_319 = tpu.memref_squeeze %dma_wait3A_318 : memref<1x128x128xf32, #tpu.memory_space<hbm>> -> memref<128x128xf32, #tpu.memory_space<hbm>>
    %dma_wait3A_320 = arith.constant 0 : i32
    %dma_wait3A_321 = tpu.memref_slice %arg4[%dma_wait3A_316, %mul3A_2, %dma_wait3A_320] : memref<50x4096x128xf32, #tpu.memory_space<hbm>> -> memref<1x128x128xf32, #tpu.memory_space<hbm>>
    %dma_wait3A_322 = tpu.memref_squeeze %dma_wait3A_321 : memref<1x128x128xf32, #tpu.memory_space<hbm>> -> memref<128x128xf32, #tpu.memory_space<hbm>>
    tpu.wait_dma2 semaphore(%arg14 : memref<!tpu.dma_semaphore, #tpu.memory_space<semaphore_mem>>) src(%arg6 : memref<128x128xf32, #tpu.memory_space<vmem>>) dst(%dma_wait3A_322 : memref<128x128xf32, #tpu.memory_space<hbm>>)
    %dma_wait3A_323 = arith.constant 49 : i32
    %dma_wait3A_324 = arith.constant 0 : i32
    %dma_wait3A_325 = tpu.memref_slice %arg4[%dma_wait3A_323, %mul3A_2, %dma_wait3A_324] : memref<50x4096x128xf32, #tpu.memory_space<hbm>> -> memref<1x128x128xf32, #tpu.memory_space<hbm>>
    %dma_wait3A_326 = tpu.memref_squeeze %dma_wait3A_325 : memref<1x128x128xf32, #tpu.memory_space<hbm>> -> memref<128x128xf32, #tpu.memory_space<hbm>>
    %dma_wait3A_327 = arith.constant 0 : i32
    %dma_wait3A_328 = tpu.memref_slice %arg4[%dma_wait3A_323, %mul3A_2, %dma_wait3A_327] : memref<50x4096x128xf32, #tpu.memory_space<hbm>> -> memref<1x128x128xf32, #tpu.memory_space<hbm>>
    %dma_wait3A_329 = tpu.memref_squeeze %dma_wait3A_328 : memref<1x128x128xf32, #tpu.memory_space<hbm>> -> memref<128x128xf32, #tpu.memory_space<hbm>>
    tpu.wait_dma2 semaphore(%arg15 : memref<!tpu.dma_semaphore, #tpu.memory_space<semaphore_mem>>) src(%arg7 : memref<128x128xf32, #tpu.memory_space<vmem>>) dst(%dma_wait3A_329 : memref<128x128xf32, #tpu.memory_space<hbm>>)
    return
  }
}

</mosaic_0001>

<sc_bundles>
// kernel: kernel.3.cloned.1.call-start
scs
__scs_entry_jumppad:
0x0: {  	(pc) =	sbr.rel $0x88, $3  }
0x1: {  	(tag) =	ssettag $0x0;
	lr =	simm.s32 $0x1  }
0x2: {  	[smem:$0x3F9F] =	sst lr;
	_ =	strace $0xD0000000  }
0x3: {  	_ = 	snop  }
0x4: {  	_ = 	snop  }
0x5: {  	_ = 	snop  }
0x6: {  	_ = 	snop  }
0x7: {  	_ = 	snop  }
__scs_overlays_trampoline_lowered:
0x8: {  	[smem:$0x3FAE] =	sst s0  }
0x9: {  	[smem:$0x3FAF] =	sst s1  }
0xa: {  	[smem:$0x3FB0] =	sst s2  }
0xb: {  	[smem:$0x3FB1] =	sst s3  }
0xc: {  	[smem:$0x3FB2] =	sst s4  }
0xd: {  	[smem:$0x3FB3] =	sst s5  }
0xe: {  	[smem:$0x3FB4] =	sst s6  }
0xf: {  	[smem:$0x3FB5] =	sst s7  }
0x10: {  	[smem:$0x3FB6] =	sst s8  }
0x11: {  	[smem:$0x3FB7] =	sst s9;
	s0 =	simm.s32 @!p0 $0x0  }
0x12: {  	s1 =	sld [smem:$0x3F9D];
	s0 =	simm.s32 @p0 $0x1  }
0x13: {  	[smem:$0x3FB8] =	sst s0;
	s0 =	simm.s32 @!p1 $0x0  }
0x14: {  	s2 =	sld [smem:$0x3F9C];
	s0 =	simm.s32 @p1 $0x1  }
0x15: {  	[smem:$0x3FB9] =	sst s0;
	s0 =	simm.s32 @!p2 $0x0  }
0x16: {  	s3 =	sld [smem:$0x3FDB];
	s0 =	simm.s32 @p2 $0x1  }
0x17: {  	s4 =	simm.s32 $0x1BF5;
	[smem:$0x3FBB] =	sst s0  }
0x18: {  	s0 =	sld [smem:$0x3F9E];
	_ =	swait.ge [sflag:s4], $0x0  }
0x19: {  	s7 =	sld [smem:$0x3F9F]  }
0x1a: {  	s8 =	sadd.s32 $0xFFFFE003, lr  }
0x1b: {  	s9 =	sadd.s32 $0xFFFFFEF7, lr;
	s5 =	simm.s32 $0xFFFFFFFF;
	p2 =	slt.u32 s8, $0xFFFFF086  }
0x1c: {  	p1 =	slt.u32 s9, $0xF7A;
	s5 =	simm.s32 @!p2 $0x0  }
0x1d: {  	s5 =	simm.s32 @p1 $0x1;
	p0 =	seq.s32 s7, s2  }
0x1e: {  	s7 =	smul.u32 @!p0 $0xF7A, s2;
	p2 =	seq.s32 @!p0 s5, $0x0  }
0x1f: {  	s9 =	smul.u32 $0xF7A, s1;
	s8 =	simm.s32 @!p0 $0x1BF5;
	p2 =	por !p2, p0  }
0x20: {  	[sflag:s8] =	ssyncset.s32 @!p0 $0xFFFFF086;
	s6 =	sadd.s32 @!p0 s3, s7;
	s7 =	simm.s32 @!p0 $0x108  }
0x21: {  	s3 =	sadd.s32 s3, s9;
	s6 =	sadd.s32 @!p0 $0x88, s6;
	s7 =	simm.s32 @p2 $0x1082  }
0x22: {  	[simem:s7], [sflag:s8] =	dma.local @!p0 [hbm:s6], $0xF7A  }
0x23: {  	s9 =	sor.u32 $0xD0000000, s2;
	s6 =	simm.s32 $0x108;
	_ =	swait.ge @!p0 [sflag:s8], $0x0  }
0x24: {  	s3 =	sadd.s32 $0x88, s3;
	s6 =	simm.s32 @!p1 $0x1082;
	[sflag:s4] =	ssyncset.s32 $0xFFFFF086  }
0x25: {  	[simem:s6], [sflag:s4] =	dma.local [hbm:s3], $0xF7A  }
0x26: {  	[smem:$0x3F9F] =	sst s1;
	(tag) =	ssettag s2;
	_ =	strace s9  }
0x27: {  	s1 =	sld [smem:$0x3FAF]  }
0x28: {  	s2 =	sld [smem:$0x3FB0]  }
0x29: {  	s4 =	sld [smem:$0x3FB2]  }
0x2a: {  	p0 =	seq.s32 s5, $0x0;
	s5 =	sld [smem:$0x3FB3]  }
0x2b: {  	s6 =	sld [smem:$0x3FB4]  }
0x2c: {  	s7 =	sld [smem:$0x3FB5]  }
0x2d: {  	s3 =	simm.s32 $0x108;
	s8 =	sld [smem:$0x3FB6]  }
0x2e: {  	s3 =	simm.s32 @!p0 $0x1082;
	s9 =	sld [smem:$0x3FB7]  }
0x2f: {  	lr =	sadd.s32 s0, s3;
	s0 =	sld [smem:$0x3FAE]  }
0x30: {  	s3 =	sld [smem:$0x3FB1]  }
0x31: {  	[smem:$0x3FBA] =	sst s10  }
0x32: {  	s10 =	sld [smem:$0x3FB8];
	_ =	sdelay $0x3  }
0x33: {  	p0 =	seq.s32 s10, $0x1;
	s10 =	sld [smem:$0x3FBA];
	_ =	sdelay $0x3  }
0x34: {  	[smem:$0x3FBA] =	sst s10  }
0x35: {  	s10 =	sld [smem:$0x3FB9];
	_ =	sdelay $0x3  }
0x36: {  	p1 =	seq.s32 s10, $0x1;
	s10 =	sld [smem:$0x3FBA];
	_ =	sdelay $0x3  }
0x37: {  	[smem:$0x3FBA] =	sst s10  }
0x38: {  	s10 =	sld [smem:$0x3FBB]  }
0x39: {  	_ = 	snop;
	(pc) =	sbr.ind lr, $3  }
0x3a: {  	_ = 	snop  }
0x3b: {  	_ = 	snop  }
0x3c: {  	p2 =	seq.s32 s10, $0x1;
	s10 =	sld [smem:$0x3FBA]  }
0x3d: {  	_ =	shalt  }
0x3e: {  	_ =	shalt  }
0x3f: {  	_ =	shalt  }
0x40: {  	_ =	shalt  }
0x41: {  	_ =	shalt  }
0x42: {  	_ =	shalt  }
0x43: {  	_ =	shalt  }
0x44: {  	_ =	shalt  }
0x45: {  	_ =	shalt  }
0x46: {  	_ =	shalt  }
0x47: {  	_ =	shalt  }
0x48: {  	_ =	shalt  }
0x49: {  	_ =	shalt  }
0x4a: {  	_ =	shalt  }
0x4b: {  	_ =	shalt  }
0x4c: {  	_ =	shalt  }
0x4d: {  	_ =	shalt  }
0x4e: {  	_ =	shalt  }
0x4f: {  	_ =	shalt  }
0x50: {  	_ =	shalt  }
0x51: {  	_ =	shalt  }
0x52: {  	_ =	shalt  }
0x53: {  	_ =	shalt  }
0x54: {  	_ =	shalt  }
0x55: {  	_ =	shalt  }
0x56: {  	_ =	shalt  }
0x57: {  	_ =	shalt  }
0x58: {  	_ =	shalt  }
0x59: {  	_ =	shalt  }
0x5a: {  	_ =	shalt  }
0x5b: {  	_ =	shalt  }
0x5c: {  	_ =	shalt  }
0x5d: {  	_ =	shalt  }
0x5e: {  	_ =	shalt  }
0x5f: {  	_ =	shalt  }
0x60: {  	_ =	shalt  }
0x61: {  	_ =	shalt  }
0x62: {  	_ =	shalt  }
0x63: {  	_ =	shalt  }
0x64: {  	_ =	shalt  }
0x65: {  	_ =	shalt  }
0x66: {  	_ =	shalt  }
0x67: {  	_ =	shalt  }
0x68: {  	_ =	shalt  }
0x69: {  	_ =	shalt  }
0x6a: {  	_ =	shalt  }
0x6b: {  	_ =	shalt  }
0x6c: {  	_ =	shalt  }
0x6d: {  	_ =	shalt  }
0x6e: {  	_ =	shalt  }
0x6f: {  	_ =	shalt  }
0x70: {  	_ =	shalt  }
0x71: {  	_ =	shalt  }
0x72: {  	_ =	shalt  }
0x73: {  	_ =	shalt  }
0x74: {  	_ =	shalt  }
0x75: {  	_ =	shalt  }
0x76: {  	_ =	shalt  }
0x77: {  	_ =	shalt  }
0x78: {  	_ =	shalt  }
0x79: {  	_ =	shalt  }
0x7a: {  	_ =	shalt  }
0x7b: {  	_ =	shalt  }
0x7c: {  	_ =	shalt  }
0x7d: {  	_ =	shalt  }
0x7e: {  	_ =	shalt  }
0x7f: {  	_ =	shalt  }
0x80: {  	_ =	shalt  }
0x81: {  	_ =	shalt  }
0x82: {  	_ =	shalt  }
0x83: {  	_ =	shalt  }
0x84: {  	_ =	shalt  }
0x85: {  	_ =	shalt  }
0x86: {  	_ =	shalt  }
0x87: {  	_ =	shalt  }
.Lfunc_end0:
.L_simem_size_0:
called_computation_lowered:
.L_overlay_start_0:
0x88: {  	s2 =	sld [smem:$0x3FD9]  }
0x89: {  	s3 =	sld [smem:$0x3FFE];
	_ =	sdelay $0x1  }
0x8a: {  	s1 =	srdreg.scid  }
0x8b: {  	s0 =	sand.u32 $0x1, s1  }
0x8c: {  	s18 =	sshll.u32 s0, $0xA;
	s2 =	sadd.s32 s3, s2  }
0x8d: {  	s2 =	sadd.s32 s2, s18  }
0x8e: {  	[smem:$0x3FC6] =	sst s2  }
0x8f: {  	_ = 	snop  }
0x90: {  	s2 =	sld [smem:$0x3FC9]  }
0x91: {  	s19 =	sld [smem:$0x3FC8]  }
0x92: {  	s4 =	sld [smem:$0x3FD0];
	(tm) =	ssettm $0x1  }
0x93: {  	s5 =	sld [smem:$0x3FFB];
	_ =	sdelay $0x3  }
0x94: {  	_ =	strace s5  }
0x95: {  	s5 =	sld [smem:$0x3FFC];
	_ =	sdelay $0x3  }
0x96: {  	_ =	strace s5  }
0x97: {  	s5 =	sld [smem:$0x3FFD];
	_ =	sdelay $0x3  }
0x98: {  	_ =	strace s5  }
0x99: {  	_ =	strace $0x8FFFFFFF  }
0x9a: {  	s20 =	sld [smem:$0x3FDB];
	_ =	sdelay $0x1  }
0x9b: {  	s6 =	simm.s32 $_scs_section_size  }
0x9c: {  	s7 =	simm.s32 $_size__tile_overlayer_lowered;
	s8 =	simm.s32 $_tile_overlayer_lowered  }
0x9d: {  	s23 =	simm.s32 $0x1BFF;
	s22 =	sshll.u32 s8, $0x1;
	s5 =	sadd.s32 s6, s20  }
0x9e: {  	s9 =	simm.s32 $0x0;
	s21 =	sshll.u32 s7, $0x1;
	s7 =	sadd.s32 s22, s5  }
0x9f: {  	[timem:s9], [sflag:s23] =	dma.local [hbm:s7], s21  }
0xa0: {  	_ =	swait.ge [sflag:s23], s21  }
0xa1: {  	s6 =	ssub.s32 $0x0, s21;
	[sflag:s23] =	ssyncset.done $0x0  }
0xa2: {  	[sflag:s23] =	ssyncadd.s32 s6;
	_ =	sdelay $0x1  }
0xa3: {  	s24 =	simm.s32 $0x1B8B  }
0xa4: {  	_ =	swait.ge [sflag:s24], $0x1  }
0xa5: {  	[sflag:s24] =	ssyncset.done $0x0  }
0xa6: {  	s25 =	simm.s32 $0x1B8E;
	[sflag:s24] =	ssyncadd.s32 $0xFFFFFFFF  }
0xa7: {  	s26 =	simm.s32 $execute0_lowered;
	[smem:$0x3FD2] =	sst s25  }
0xa8: {  	s6 =	sshll.u32 s26, $0x1;
	_ =	strace $0x80000046;
	[dreg:$0x1] =	wrdreg $0xFFFFFFFF  }
0xa9: {  	s28 =	simm.s32 $_size_execute0_lowered;
	s5 =	sadd.s32 s5, s6;
	[dreg:$0x0] =	wrdreg $0x0  }
0xaa: {  	s6 =	sshll.u32 s28, $0x1;
	[dreg:$0x2] =	wrdreg s5  }
0xab: {  	[dreg:$0x3] =	wrdreg s6  }
0xac: {  	[dreg:$0x4] =	wrdreg $0xC0  }
0xad: {  	_ =	task [dreg:s9], $0x5FFFF  }
0xae: {  	[dreg:$0x1] =	wrdreg $0xFFFFFFFF  }
0xaf: {  	[dreg:$0x0] =	wrdreg $0x60  }
0xb0: {  	[dreg:$0x2] =	wrdreg s2  }
0xb1: {  	[dreg:$0x3] =	wrdreg s19  }
0xb2: {  	[dreg:$0x4] =	wrdreg s4  }
0xb3: {  	[dreg:$0x5] =	wrdreg $0x9  }
0xb4: {  	_ =	task.clear_ibuf [dreg:s9], $0x6FFFF;
	_ =	strace $0x90000046  }
0xb5: {  	s29 =	simm.s32 $0x9;
	_ =	strace $0x80000048  }
0xb6: {  	_ =	swait.ge [sflag:s29], $0x1  }
0xb7: {  	[sflag:s29] =	ssyncadd.s32 $0xFFFFFFFF  }
0xb8: {  	_ =	strace $0x90000048  }
0xb9: {  	_ =	sfence  }
0xba: {  	s30 =	sld [smem:$0x0];
	_ =	sdelay $0x2  }
0xbb: {  	s31 =	sshll.u32 s1, $0xD;
	s1 =	sshrl.u32 s1, $0x2  }
0xbc: {  	s3 =	sand.u32 $0x4000, s31;
	s1 =	sadd.s32 s1, s30  }
0xbd: {  	s0 =	sor.u32 s3, s0;
	s1 =	sshll.u32 s1, $0x11  }
0xbe: {  	s0 =	sor.u32 s1, s0  }
0xbf: {  	s0 =	sadd.s32 $0x8F2B, s0  }
0xc0: {  	[sflag:s0] =	ssyncadd.remote.s32 $0x1  }
0xc1: {  	_ =	sfence.sel $0xFFFF  }
0xc2: {  	[dreg:$0x0] =	wrdreg $0xFFFFFFFF;
	(pc) =	sbr.abs _section_cstart, $3  }
0xc3: {  	[dreg:$0x1] =	wrdreg $0xFFFFFFFF  }
0xc4: {  	_ =	task.clear_ibuf [dreg:s9], $0x2FFFF;
	_ =	strace $0x9FFFFFFF  }
0xc5: {  	(tm) =	ssettm $0x7FFFFFFF  }
tec
execute0_lowered:
.L_overlay_start_1:
0x0: {  	(tag) =	ssettag $0x1  }
0x1: {  	s0 =	rddreg [dreg:$0x0]  }
0x2: {  	s2 =	rddreg [dreg:$0x1]  }
0x3: {  	s3 =	rddreg [dreg:$0x2];
	s1 =	srdreg.scid  }
0x4: {  	s8 =	stileid.u32;
	s4 =	simm.s32 $0x0;
	s12 =	simm.s32 $0x1800  }
0x5: {  	s28 =	simm.s32 $0x7C00;
	s29 =	simm.s32 $0x1;
	s31 =	simm.s32 $0x9C00  }
0x6: {  	s30 =	simm.s32 $0xFC00;
	s10 =	simm.s32 $0x0;
	s1 =	sand.u32 $0x1, s1  }
0x7: {  	s5 =	sshll.u32 s8, $0x8;
	[smem:$0x7FF] =	sst s4;
	s19 =	sshll.u32 s8, $0xF  }
0x8: {  	s8 =	simm.s32 $0x7;
	s6 =	sshll.u32 s1, $0x7;
	s7 =	ssub.s32 $0x2, s1  }
0x9: {  	_ =	strace $0x80000047;
	s1 =	sshll.u32 s1, $0xE;
	s5 =	sor.u32 s6, s5  }
0xa: {  	s15 =	sshrl.u32 s7, $0x1;
	s1 =	sor.u32 s1, s19;
	s9 =	sadd.s32 s0, s5  }
0xb: {  	s16 =	ssub.s32 s7, s15;
	s5 =	sshll.u32 s5, $0x4;
	s24 =	sshrl.u32 s1, $0x3  }
0xc: {  	s25 =	sor.u32 $0x280000, s1;
	s15 =	sor.u32 $0x200000, s1;
	s1 =	simm.s32 $0xBC00  }
0xd: {  	[dreg:$0x4] =	wrdreg s9;
	s17 =	sadd.s32 $0x6000, s9;
	s18 =	sadd.s32 s3, s5  }
0xe: {  	s5 =	sadd.s32 s24, s3;
	s0 =	smax.u32 s16, $0x1;
	s26 =	sshrl.u32 s25, $0x3  }
0xf: {  	s25 =	simm.s32 $0x5C00;
	s24 =	simm.s32 $0xDC00;
	[dreg:$0x5] =	wrdreg s17  }
0x10: {  	s9 =	simm.s32 $0x8;
	s20 =	sadd.s32 $0x10000, s18;
	[dreg:$0x6] =	wrdreg s18  }
0x11: {  	s21 =	sadd.s32 $0x2E0000, s18;
	s22 =	sadd.s32 $0x2F0000, s18;
	[dreg:$0xc] =	wrdreg s0  }
0x12: {  	s23 =	sadd.s32 $0x300000, s18;
	s6 =	sadd.s32 $0x310000, s18;
	[dreg:$0x7] =	wrdreg s20  }
0x13: {  	s14 =	sadd.s32 $0x30000, s5;
	s16 =	sadd.s32 s26, s3;
	[dreg:$0x8] =	wrdreg s21  }
0x14: {  	s17 =	simm.s32 $0x2;
	s0 =	simm.s32 $0x3;
	[dreg:$0x9] =	wrdreg s22  }
0x15: {  	s18 =	simm.s32 $0x5;
	s26 =	simm.s32 $0x4;
	[dreg:$0xa] =	wrdreg s23  }
0x16: {  	[dreg:$0xb] =	wrdreg s6;
	s20 =	simm.s32 $0x9;
	s21 =	simm.s32 $0x40  }
0x17: {  	s22 =	simm.s32 $0x1C00;
	s23 =	simm.s32 $0x3C00;
	s6 =	simm.s32 $0x6  }
.LBB2_1:
0x18: {  	s5 =	rddreg [dreg:$0x4];
	s7 =	simm.s32 $0x400;
	s11 =	simm.s32 $0x8000  }
0x19: {  	[tilespmem:s4], [sflag:$0x9] =	stream.strided.gather [hbm4b:s5+s7], $0x1800, s11, s7, $0x38;
	[tilespmem:$0x11C00] =	vst v63  }
0x1a: {  	s11 =	rddreg [dreg:$0x5]  }
0x1b: {  	[tilespmem:s12], [sflag:$0x9] =	stream.linear.gather [hbm4b:s11+s4], $0x100, $0x38;
	[tilespmem:$0x11C00] =	vst v63  }
0x1c: {  	_ =	swait.ge [sflag:s20], $0x1900  }
0x1d: {  	[sflag:s20] =	ssyncset.done $0x0  }
0x1e: {  	[sflag:s20] =	ssyncadd.s32 $0xFFFFE700  }
0x1f: {  	[tilespmem:s22], [sflag:$0x1] =	stream.indirect.gather [hbm4b:s2+s21], $0x80, s4, s21, $0xb8;
	[tilespmem:$0x11C00] =	vst v63  }
0x20: {  	_ = 	snop  }
0x21: {  	[tilespmem:s23], [sflag:$0x1] =	stream.indirect.gather [hbm4b:s2+s21], $0x80, s21, s21, $0xb8;
	[tilespmem:$0x11C00] =	vst v63  }
0x22: {  	s13 =	simm.s32 $0x80  }
0x23: {  	[tilespmem:s25], [sflag:$0x2] =	stream.indirect.gather [hbm4b:s2+s21], $0x80, s13, s21, $0xb8;
	[tilespmem:$0x11C00] =	vst v63  }
0x24: {  	s19 =	simm.s32 $0xC0  }
0x25: {  	[tilespmem:s28], [sflag:$0x2] =	stream.indirect.gather [hbm4b:s2+s21], $0x80, s19, s21, $0xb8;
	[tilespmem:$0x11C00] =	vst v63  }
0x26: {  	_ =	swait.ge [sflag:s29], $0x2000  }
0x27: {  	[sflag:s29] =	ssyncset.done $0x0  }
0x28: {  	[sflag:s29] =	ssyncadd.s32 $0xFFFFE000  }
0x29: {  	_ =	swait.ge [sflag:s29], $0x2000  }
0x2a: {  	[sflag:s29] =	ssyncset.done $0x0  }
0x2b: {  	s7 =	rddreg [dreg:$0x6];
	[sflag:s29] =	ssyncadd.s32 $0xFFFFE000  }
0x2c: {  	[hbm4b:s7+s4] =	stream.linear.scatter [tilespmem:s22], [sflag:$0x5], $0x4000, $0x38;
	[tilespmem:$0x11C00] =	vst v63  }
0x2d: {  	s11 =	simm.s32 $0x100  }
0x2e: {  	[tilespmem:s31], [sflag:$0x3] =	stream.indirect.gather [hbm4b:s2+s21], $0x80, s11, s21, $0xb8;
	[tilespmem:$0x11C00] =	vst v63  }
0x2f: {  	s12 =	simm.s32 $0x140  }
0x30: {  	[tilespmem:s1], [sflag:$0x3] =	stream.indirect.gather [hbm4b:s2+s21], $0x80, s12, s21, $0xb8;
	[tilespmem:$0x11C00] =	vst v63  }
0x31: {  	_ =	swait.ge [sflag:s17], $0x2000  }
0x32: {  	[sflag:s17] =	ssyncset.done $0x0  }
0x33: {  	[sflag:s17] =	ssyncadd.s32 $0xFFFFE000  }
0x34: {  	_ =	swait.ge [sflag:s17], $0x2000  }
0x35: {  	[sflag:s17] =	ssyncset.done $0x0  }
0x36: {  	s13 =	rddreg [dreg:$0x7];
	[sflag:s17] =	ssyncadd.s32 $0xFFFFE000  }
0x37: {  	[hbm4b:s13+s4] =	stream.linear.scatter [tilespmem:s25], [sflag:$0x6], $0x4000, $0x38;
	[tilespmem:$0x11C00] =	vst v63  }
0x38: {  	s19 =	simm.s32 $0x180  }
0x39: {  	[tilespmem:s24], [sflag:$0x4] =	stream.indirect.gather [hbm4b:s2+s21], $0x80, s19, s21, $0xb8;
	[tilespmem:$0x11C00] =	vst v63  }
0x3a: {  	s7 =	simm.s32 $0x1C0  }
0x3b: {  	[tilespmem:s30], [sflag:$0x4] =	stream.indirect.gather [hbm4b:s2+s21], $0x80, s7, s21, $0xb8;
	[tilespmem:$0x11C00] =	vst v63  }
0x3c: {  	_ =	swait.ge [sflag:s0], $0x2000  }
0x3d: {  	[sflag:s0] =	ssyncset.done $0x0  }
0x3e: {  	[sflag:s0] =	ssyncadd.s32 $0xFFFFE000  }
0x3f: {  	_ =	swait.ge [sflag:s0], $0x2000  }
0x40: {  	[sflag:s0] =	ssyncset.done $0x0  }
0x41: {  	s11 =	sadd.s32 $0xFFFF0000, s14;
	[sflag:s0] =	ssyncadd.s32 $0xFFFFE000  }
0x42: {  	[hbm4b:s11+s4] =	stream.linear.scatter [tilespmem:s31], [sflag:$0x7], $0x4000, $0x38;
	[tilespmem:$0x11C00] =	vst v63  }
0x43: {  	_ =	swait.ge [sflag:s18], $0x4000  }
0x44: {  	[sflag:s18] =	ssyncset.done $0x0  }
0x45: {  	s12 =	simm.s32 $0x200;
	[sflag:s18] =	ssyncadd.s32 $0xFFFFC000  }
0x46: {  	[tilespmem:s22], [sflag:$0x1] =	stream.indirect.gather [hbm4b:s2+s21], $0x80, s12, s21, $0xb8;
	[tilespmem:$0x11C00] =	vst v63  }
0x47: {  	s13 =	simm.s32 $0x240  }
0x48: {  	[tilespmem:s23], [sflag:$0x1] =	stream.indirect.gather [hbm4b:s2+s21], $0x80, s13, s21, $0xb8;
	[tilespmem:$0x11C00] =	vst v63  }
0x49: {  	_ =	swait.ge [sflag:s26], $0x2000  }
0x4a: {  	[sflag:s26] =	ssyncset.done $0x0  }
0x4b: {  	[sflag:s26] =	ssyncadd.s32 $0xFFFFE000  }
0x4c: {  	_ =	swait.ge [sflag:s26], $0x2000  }
0x4d: {  	[sflag:s26] =	ssyncset.done $0x0  }
0x4e: {  	[sflag:s26] =	ssyncadd.s32 $0xFFFFE000  }
0x4f: {  	[hbm4b:s14+s4] =	stream.linear.scatter [tilespmem:s24], [sflag:$0x8], $0x4000, $0x38;
	[tilespmem:$0x11C00] =	vst v63  }
0x50: {  	_ =	swait.ge [sflag:s6], $0x4000  }
0x51: {  	[sflag:s6] =	ssyncset.done $0x0  }
0x52: {  	s19 =	simm.s32 $0x280;
	[sflag:s6] =	ssyncadd.s32 $0xFFFFC000  }
0x53: {  	[tilespmem:s25], [sflag:$0x2] =	stream.indirect.gather [hbm4b:s2+s21], $0x80, s19, s21, $0xb8;
	[tilespmem:$0x11C00] =	vst v63  }
0x54: {  	s7 =	simm.s32 $0x2C0  }
0x55: {  	[tilespmem:s28], [sflag:$0x2] =	stream.indirect.gather [hbm4b:s2+s21], $0x80, s7, s21, $0xb8;
	[tilespmem:$0x11C00] =	vst v63  }
0x56: {  	_ =	swait.ge [sflag:s29], $0x2000  }
0x57: {  	[sflag:s29] =	ssyncset.done $0x0  }
0x58: {  	[sflag:s29] =	ssyncadd.s32 $0xFFFFE000  }
0x59: {  	_ =	swait.ge [sflag:s29], $0x2000  }
0x5a: {  	s11 =	sshrl.u32 s15, $0x3;
	[sflag:s29] =	ssyncset.done $0x0  }
0x5b: {  	s5 =	sadd.s32 s3, s11;
	[sflag:s29] =	ssyncadd.s32 $0xFFFFE000  }
0x5c: {  	[hbm4b:s5+s4] =	stream.linear.scatter [tilespmem:s22], [sflag:$0x5], $0x4000, $0x38;
	[tilespmem:$0x11C00] =	vst v63  }
0x5d: {  	_ =	swait.ge [sflag:s8], $0x4000  }
0x5e: {  	[sflag:s8] =	ssyncset.done $0x0  }
0x5f: {  	s12 =	simm.s32 $0x300;
	[sflag:s8] =	ssyncadd.s32 $0xFFFFC000  }
0x60: {  	[tilespmem:s31], [sflag:$0x3] =	stream.indirect.gather [hbm4b:s2+s21], $0x80, s12, s21, $0xb8;
	[tilespmem:$0x11C00] =	vst v63  }
0x61: {  	s13 =	simm.s32 $0x340  }
0x62: {  	[tilespmem:s1], [sflag:$0x3] =	stream.indirect.gather [hbm4b:s2+s21], $0x80, s13, s21, $0xb8;
	[tilespmem:$0x11C00] =	vst v63  }
0x63: {  	_ =	swait.ge [sflag:s17], $0x2000  }
0x64: {  	[sflag:s17] =	ssyncset.done $0x0  }
0x65: {  	[sflag:s17] =	ssyncadd.s32 $0xFFFFE000  }
0x66: {  	_ =	swait.ge [sflag:s17], $0x2000  }
0x67: {  	[sflag:s17] =	ssyncset.done $0x0  }
0x68: {  	[sflag:s17] =	ssyncadd.s32 $0xFFFFE000  }
0x69: {  	[hbm4b:s16+s4] =	stream.linear.scatter [tilespmem:s25], [sflag:$0x6], $0x4000, $0x38;
	[tilespmem:$0x11C00] =	vst v63  }
0x6a: {  	_ =	swait.ge [sflag:s9], $0x4000  }
0x6b: {  	s11 =	sadd.s32 $0x40000, s16;
	[sflag:s9] =	ssyncset.done $0x0  }
0x6c: {  	s19 =	simm.s32 $0x380;
	s5 =	simm.s32 $0x800;
	[sflag:s9] =	ssyncadd.s32 $0xFFFFC000  }
0x6d: {  	[tilespmem:s24], [sflag:$0x4] =	stream.indirect.gather [hbm4b:s2+s21], $0x80, s19, s21, $0xb8;
	[tilespmem:$0x11C00] =	vst v63  }
0x6e: {  	s12 =	sadd.s32 $0x40000, s14;
	s13 =	sadd.s32 $0x200000, s15;
	s19 =	simm.s32 $0x3C0  }
.LBB2_2:
0x6f: {  	[tilespmem:s30], [sflag:$0x4] =	stream.indirect.gather [hbm4b:s2+s21], $0x80, s19, s21, $0xb8;
	[tilespmem:$0x11C00] =	vst v63  }
0x70: {  	s19 =	smov.u32 s5  }
0x71: {  	p0 =	sne.s32 s5, $0x5000;
	s5 =	sadd.s32 $0x800, s5;
	_ =	swait.ge [sflag:s0], $0x2000  }
0x72: {  	[sflag:s0] =	ssyncset.done $0x0  }
0x73: {  	[sflag:s0] =	ssyncadd.s32 $0xFFFFE000  }
0x74: {  	_ =	swait.ge [sflag:s0], $0x2000  }
0x75: {  	[sflag:s0] =	ssyncset.done $0x0  }
0x76: {  	s7 =	sadd.s32 $0xFFFF0000, s12;
	[sflag:s0] =	ssyncadd.s32 $0xFFFFE000  }
0x77: {  	[hbm4b:s7+s4] =	stream.linear.scatter [tilespmem:s31], [sflag:$0x7], $0x4000, $0x38;
	[tilespmem:$0x11C00] =	vst v63  }
0x78: {  	_ =	swait.ge [sflag:s18], $0x4000  }
0x79: {  	s19 =	sshra.s32 s19, $0x2;
	[sflag:s18] =	ssyncset.done $0x0  }
0x7a: {  	s7 =	sadd.s32 $0x200, s19;
	[sflag:s18] =	ssyncadd.s32 $0xFFFFC000  }
0x7b: {  	[tilespmem:s22], [sflag:$0x1] =	stream.indirect.gather [hbm4b:s2+s21], $0x80, s7, s21, $0xb8;
	[tilespmem:$0x11C00] =	vst v63  }
0x7c: {  	s7 =	sadd.s32 $0x240, s19  }
0x7d: {  	[tilespmem:s23], [sflag:$0x1] =	stream.indirect.gather [hbm4b:s2+s21], $0x80, s7, s21, $0xb8;
	[tilespmem:$0x11C00] =	vst v63  }
0x7e: {  	_ =	swait.ge [sflag:s26], $0x2000  }
0x7f: {  	[sflag:s26] =	ssyncset.done $0x0  }
0x80: {  	[sflag:s26] =	ssyncadd.s32 $0xFFFFE000  }
0x81: {  	_ =	swait.ge [sflag:s26], $0x2000  }
0x82: {  	[sflag:s26] =	ssyncset.done $0x0  }
0x83: {  	[sflag:s26] =	ssyncadd.s32 $0xFFFFE000  }
0x84: {  	[hbm4b:s12+s4] =	stream.linear.scatter [tilespmem:s24], [sflag:$0x8], $0x4000, $0x38;
	[tilespmem:$0x11C00] =	vst v63  }
0x85: {  	_ =	swait.ge [sflag:s6], $0x4000  }
0x86: {  	[sflag:s6] =	ssyncset.done $0x0  }
0x87: {  	s7 =	sadd.s32 $0x280, s19;
	[sflag:s6] =	ssyncadd.s32 $0xFFFFC000  }
0x88: {  	[tilespmem:s25], [sflag:$0x2] =	stream.indirect.gather [hbm4b:s2+s21], $0x80, s7, s21, $0xb8;
	[tilespmem:$0x11C00] =	vst v63  }
0x89: {  	s7 =	sadd.s32 $0x2C0, s19  }
0x8a: {  	[tilespmem:s28], [sflag:$0x2] =	stream.indirect.gather [hbm4b:s2+s21], $0x80, s7, s21, $0xb8;
	[tilespmem:$0x11C00] =	vst v63  }
0x8b: {  	_ =	swait.ge [sflag:s29], $0x2000  }
0x8c: {  	[sflag:s29] =	ssyncset.done $0x0  }
0x8d: {  	[sflag:s29] =	ssyncadd.s32 $0xFFFFE000  }
0x8e: {  	_ =	swait.ge [sflag:s29], $0x2000  }
0x8f: {  	s7 =	sshrl.u32 s13, $0x3;
	[sflag:s29] =	ssyncset.done $0x0  }
0x90: {  	s7 =	sadd.s32 s3, s7;
	[sflag:s29] =	ssyncadd.s32 $0xFFFFE000  }
0x91: {  	[hbm4b:s7+s4] =	stream.linear.scatter [tilespmem:s22], [sflag:$0x5], $0x4000, $0x38;
	[tilespmem:$0x11C00] =	vst v63  }
0x92: {  	_ =	swait.ge [sflag:s8], $0x4000  }
0x93: {  	[sflag:s8] =	ssyncset.done $0x0  }
0x94: {  	s7 =	sadd.s32 $0x300, s19;
	[sflag:s8] =	ssyncadd.s32 $0xFFFFC000  }
0x95: {  	[tilespmem:s31], [sflag:$0x3] =	stream.indirect.gather [hbm4b:s2+s21], $0x80, s7, s21, $0xb8;
	[tilespmem:$0x11C00] =	vst v63  }
0x96: {  	s7 =	sadd.s32 $0x340, s19  }
0x97: {  	[tilespmem:s1], [sflag:$0x3] =	stream.indirect.gather [hbm4b:s2+s21], $0x80, s7, s21, $0xb8;
	[tilespmem:$0x11C00] =	vst v63  }
0x98: {  	_ =	swait.ge [sflag:s17], $0x2000  }
0x99: {  	[sflag:s17] =	ssyncset.done $0x0  }
0x9a: {  	[sflag:s17] =	ssyncadd.s32 $0xFFFFE000  }
0x9b: {  	_ =	swait.ge [sflag:s17], $0x2000  }
0x9c: {  	[sflag:s17] =	ssyncset.done $0x0  }
0x9d: {  	[sflag:s17] =	ssyncadd.s32 $0xFFFFE000  }
0x9e: {  	[hbm4b:s11+s4] =	stream.linear.scatter [tilespmem:s25], [sflag:$0x6], $0x4000, $0x38;
	[tilespmem:$0x11C00] =	vst v63  }
.Ltmp0:
0x9f: {  	_ =	swait.ge [sflag:s9], $0x4000;
	(pc) =	sbr.rel @p0 .LBB2_2-.Ltmp0, $4  }
0xa0: {  	[sflag:s9] =	ssyncset.done $0x0  }
0xa1: {  	s7 =	sadd.s32 $0x380, s19;
	s11 =	sadd.s32 $0x40000, s11;
	[sflag:s9] =	ssyncadd.s32 $0xFFFFC000  }
0xa2: {  	[tilespmem:s24], [sflag:$0x4] =	stream.indirect.gather [hbm4b:s2+s21], $0x80, s7, s21, $0xb8;
	[tilespmem:$0x11C00] =	vst v63  }
0xa3: {  	s12 =	sadd.s32 $0x40000, s12;
	s13 =	sadd.s32 $0x200000, s13;
	s19 =	sadd.s32 $0x3C0, s19  }
0xa4: {  	[tilespmem:s30], [sflag:$0x4] =	stream.indirect.gather [hbm4b:s2+s21], $0x80, s19, s21, $0xb8;
	[tilespmem:$0x11C00] =	vst v63  }
0xa5: {  	_ =	swait.ge [sflag:s0], $0x2000  }
0xa6: {  	[sflag:s0] =	ssyncset.done $0x0  }
0xa7: {  	[sflag:s0] =	ssyncadd.s32 $0xFFFFE000  }
0xa8: {  	_ =	swait.ge [sflag:s0], $0x2000  }
0xa9: {  	[sflag:s0] =	ssyncset.done $0x0  }
0xaa: {  	s5 =	rddreg [dreg:$0x8];
	[sflag:s0] =	ssyncadd.s32 $0xFFFFE000  }
0xab: {  	[hbm4b:s5+s4] =	stream.linear.scatter [tilespmem:s31], [sflag:$0x7], $0x4000, $0x38;
	[tilespmem:$0x11C00] =	vst v63  }
0xac: {  	_ =	swait.ge [sflag:s18], $0x4000  }
0xad: {  	[sflag:s18] =	ssyncset.done $0x0  }
0xae: {  	s12 =	simm.s32 $0x1800;
	[sflag:s18] =	ssyncadd.s32 $0xFFFFC000  }
0xaf: {  	[tilespmem:s22], [sflag:$0x1] =	stream.indirect.gather [hbm4b:s2+s21], $0x80, s12, s21, $0xb8;
	[tilespmem:$0x11C00] =	vst v63  }
0xb0: {  	s11 =	simm.s32 $0x1840  }
0xb1: {  	[tilespmem:s23], [sflag:$0x1] =	stream.indirect.gather [hbm4b:s2+s21], $0x80, s11, s21, $0xb8;
	[tilespmem:$0x11C00] =	vst v63  }
0xb2: {  	_ =	swait.ge [sflag:s26], $0x2000  }
0xb3: {  	[sflag:s26] =	ssyncset.done $0x0  }
0xb4: {  	[sflag:s26] =	ssyncadd.s32 $0xFFFFE000  }
0xb5: {  	_ =	swait.ge [sflag:s26], $0x2000  }
0xb6: {  	[sflag:s26] =	ssyncset.done $0x0  }
0xb7: {  	s13 =	rddreg [dreg:$0x9];
	[sflag:s26] =	ssyncadd.s32 $0xFFFFE000  }
0xb8: {  	[hbm4b:s13+s4] =	stream.linear.scatter [tilespmem:s24], [sflag:$0x8], $0x4000, $0x38;
	[tilespmem:$0x11C00] =	vst v63  }
0xb9: {  	_ =	swait.ge [sflag:s6], $0x4000  }
0xba: {  	[sflag:s6] =	ssyncset.done $0x0  }
0xbb: {  	s19 =	simm.s32 $0x1880;
	[sflag:s6] =	ssyncadd.s32 $0xFFFFC000  }
0xbc: {  	[tilespmem:s25], [sflag:$0x2] =	stream.indirect.gather [hbm4b:s2+s21], $0x80, s19, s21, $0xb8;
	[tilespmem:$0x11C00] =	vst v63  }
0xbd: {  	s7 =	simm.s32 $0x18C0  }
0xbe: {  	[tilespmem:s28], [sflag:$0x2] =	stream.indirect.gather [hbm4b:s2+s21], $0x80, s7, s21, $0xb8;
	[tilespmem:$0x11C00] =	vst v63  }
0xbf: {  	_ =	swait.ge [sflag:s29], $0x2000  }
0xc0: {  	[sflag:s29] =	ssyncset.done $0x0  }
0xc1: {  	[sflag:s29] =	ssyncadd.s32 $0xFFFFE000  }
0xc2: {  	_ =	swait.ge [sflag:s29], $0x2000  }
0xc3: {  	[sflag:s29] =	ssyncset.done $0x0  }
0xc4: {  	s11 =	rddreg [dreg:$0xa];
	[sflag:s29] =	ssyncadd.s32 $0xFFFFE000  }
0xc5: {  	[hbm4b:s11+s4] =	stream.linear.scatter [tilespmem:s22], [sflag:$0x5], $0x4000, $0x38;
	[tilespmem:$0x11C00] =	vst v63  }
0xc6: {  	_ =	swait.ge [sflag:s17], $0x2000  }
0xc7: {  	[sflag:s17] =	ssyncset.done $0x0  }
0xc8: {  	[sflag:s17] =	ssyncadd.s32 $0xFFFFE000  }
0xc9: {  	_ =	swait.ge [sflag:s17], $0x2000  }
0xca: {  	[sflag:s17] =	ssyncset.done $0x0  }
0xcb: {  	s13 =	rddreg [dreg:$0xb];
	[sflag:s17] =	ssyncadd.s32 $0xFFFFE000  }
0xcc: {  	[hbm4b:s13+s4] =	stream.linear.scatter [tilespmem:s25], [sflag:$0x6], $0x4000, $0x38;
	[tilespmem:$0x11C00] =	vst v63  }
0xcd: {  	_ =	swait.ge [sflag:s8], $0x4000  }
0xce: {  	[sflag:s8] =	ssyncset.done $0x0  }
0xcf: {  	[sflag:s8] =	ssyncadd.s32 $0xFFFFC000  }
0xd0: {  	_ =	swait.ge [sflag:s9], $0x4000  }
0xd1: {  	[sflag:s9] =	ssyncset.done $0x0  }
0xd2: {  	[sflag:s9] =	ssyncadd.s32 $0xFFFFC000  }
0xd3: {  	_ =	swait.ge [sflag:s18], $0x4000  }
0xd4: {  	[sflag:s18] =	ssyncset.done $0x0  }
0xd5: {  	[sflag:s18] =	ssyncadd.s32 $0xFFFFC000  }
0xd6: {  	_ =	swait.ge [sflag:s6], $0x4000  }
0xd7: {  	s10 =	sadd.s32 $0x1, s10;
	s19 =	rddreg [dreg:$0xc]  }
0xd8: {  	p0 =	sne.s32 s10, s19  }
.Ltmp1:
0xd9: {  	_ = 	snop;
	(pc) =	sbr.rel @p0 .LBB2_1-.Ltmp1, $3  }
0xda: {  	_ =	sdelay $0x1  }
0xdb: {  	[sflag:s6] =	ssyncset.done $0x0  }
0xdc: {  	[sflag:s6] =	ssyncadd.s32 $0xFFFFC000  }
0xdd: {  	_ =	sfence.sel $0x180000  }
0xde: {  	[bflag:$0x0] =	sbarrier.arrive $0xFFFF  }
0xdf: {  	_ =	strace $0x90000047  }
0xe0: {  	s0 =	stileid.u32;
	[bflag:$0x2] =	sbarrier.arrive $0xFFFF  }
0xe1: {  	p0 =	sne.s32 s0, $0x0;
	s0 =	rddreg [dreg:$0x3]  }
0xe2: {  	s0 =	sadd.s32 @!p0 $0x100000, s0  }
0xe3: {  	[sflag:s0] =	ssyncadd.tile.s32 @!p0 $0x1;
	_ =	shalt  }
.Lfunc_end2:
_tile_overlayer_lowered:
.L_overlay_start_2:
0xe4: {  	(tag) =	ssettag $0x2  }
0xe5: {  	s0 =	rddreg [dreg:$0x0];
	s2 =	stileid.u32  }
0xe6: {  	s1 =	rddreg [dreg:$0x1];
	p0 =	sne.s32 s2, $0x0  }
0xe7: {  	s3 =	rddreg [dreg:$0x2];
	[bflag:$0x3] =	sbarrier.arrive $0xFFFF;
	s2 =	simm.s32 @!p0 $0x1C09  }
0xe8: {  	[timem:s3], [sflag:s2] =	dma.local @!p0 [hbm:s0], s1  }
0xe9: {  	s0 =	simm.s32 @!p0 $0x9  }
0xea: {  	_ =	swait.ge @!p0 [sflag:s0], s1  }
0xeb: {  	s1 =	ssub.s32 @!p0 $0x0, s1;
	[sflag:s0] =	ssyncset.done @!p0 $0x0  }
0xec: {  	[sflag:s0] =	ssyncadd.s32 @!p0 s1  }
0xed: {  	[bflag:$0x3] =	sbarrier.arrive $0xFFFF  }
0xee: {  	_ =	shalt  }

</sc_bundles>
